<compile_context>
chip_gen: v7x
topology: tpu7x:2x2x1
jax: 0.10.2.dev20260603
libtpu: 0.0.44.dev20260713+nightly
codegen_flags: <defaults>
</compile_context>

<pallas_src>
import jax
import jax.numpy as jnp
import numpy as np
from jax import lax
from jax.experimental import pallas as pl
from jax.experimental.pallas import tpu as pltpu
from jax.experimental.pallas import tpu_sc as plsc

N_ROWS = 16384
N_COLS = 128

with jax.default_device(jax.local_devices(backend="cpu")[0]):
    _PERM = np.asarray(
        jax.random.permutation(jax.random.key(1), N_ROWS), dtype=np.int32)

_info = plsc.get_sparse_core_info()
_NC, _NS, _L = _info.num_cores, _info.num_subcores, _info.num_lanes
_NW = _NC * _NS
_ROWS_PER_W = N_ROWS // _NW
_CHUNK = 128
_NCHUNK = _ROWS_PER_W // _CHUNK
_NBUF = 3


def _body(x_hbm, perm_hbm, out_hbm,
          idx_v, gat_v, org_v,
          gsem0, gsem1, gsem2, csem0, csem1, csem2, osem0, osem1, osem2):
    wid = lax.axis_index("s") * _NC + lax.axis_index("c")
    base = wid * _ROWS_PER_W
    lane = lax.iota(jnp.int32, _L)
    even = (lane % 2) == 0

    gat = [gat_v.at[s] for s in range(_NBUF)]
    org = [org_v.at[s] for s in range(_NBUF)]
    gsem = [gsem0, gsem1, gsem2]
    csem = [csem0, csem1, csem2]
    osem = [osem0, osem1, osem2]

    pltpu.sync_copy(perm_hbm.at[pl.ds(wid * _NCHUNK, _NCHUNK)], idx_v)

    def start_in(c, s):
        row0 = base + c * _CHUNK
        g = pltpu.async_copy(x_hbm.at[idx_v.at[c]], gat[s], gsem[s])
        o = pltpu.async_copy(x_hbm.at[pl.ds(row0, _CHUNK)], org[s], csem[s])
        return g, o

    def merge(s, lo, hi):
        g_buf, o_buf = gat[s], org[s]

        @plsc.parallel_loop(lo, hi, step=1, unroll=2)
        def row_body(r):
            for cc in range(N_COLS // _L):
                sl = pl.ds(cc * _L, _L)
                gv = g_buf[r, sl]
                ov = o_buf[r, sl]
                o_buf[r, sl] = jnp.where(even, gv, ov)

    in_flight = {}
    out_flight = {}
    for c in range(min(_NBUF, _NCHUNK)):
        in_flight[c] = start_in(c, c % _NBUF)
    for c in range(_NCHUNK):
        s = c % _NBUF
        gd, cd = in_flight.pop(c)
        gd.wait()
        cd.wait()
        merge(s, 0, _CHUNK)
        row0 = base + c * _CHUNK
        out_flight[c] = pltpu.async_copy(
            org[s], out_hbm.at[pl.ds(row0, _CHUNK)], osem[s])
        nxt = c + _NBUF
        if nxt < _NCHUNK:
            out_flight.pop(c).wait()
            in_flight[nxt] = start_in(nxt, s)
    for c in sorted(out_flight):
        out_flight[c].wait()


@jax.jit
def kernel(x):
    mesh = plsc.VectorSubcoreMesh(core_axis_name="c", subcore_axis_name="s")
    perm = jnp.asarray(_PERM).reshape(N_ROWS // N_COLS, N_COLS)
    run = pl.kernel(
        _body,
        out_type=jax.ShapeDtypeStruct((N_ROWS, N_COLS), jnp.float32),
        mesh=mesh,
        compiler_params=pltpu.CompilerParams(use_tc_tiling_on_sc=True),
        scratch_types=[
            pltpu.VMEM((_NCHUNK, N_COLS), jnp.int32),
            pltpu.VMEM((_NBUF, _CHUNK, N_COLS), jnp.float32),
            pltpu.VMEM((_NBUF, _CHUNK, N_COLS), jnp.float32),
            pltpu.SemaphoreType.DMA,
            pltpu.SemaphoreType.DMA,
            pltpu.SemaphoreType.DMA,
            pltpu.SemaphoreType.DMA,
            pltpu.SemaphoreType.DMA,
            pltpu.SemaphoreType.DMA,
            pltpu.SemaphoreType.DMA,
            pltpu.SemaphoreType.DMA,
            pltpu.SemaphoreType.DMA,
        ],
    )
    return run(x, perm)

# --- scband reference (transcript-rebuilt; emitter-appended) ---
"""Pipeline reference for scband-shuffle-mask-3822520893567 (READ-ONLY COPY).

The authoritative reference and input builder live on the scoring server;
editing this copy changes nothing except your own understanding.
"""

import jax, jax.numpy as jnp
import numpy as np

MASK = jnp.array([0, 2, 4, 6, 8, 10, 12, 14, 16, 18, 20, 22, 24, 26, 28, 30, 32, 34, 36, 38, 40, 42, 44, 46, 48, 50, 52, 54, 56, 58, 60, 62, 64, 66, 68, 70, 72, 74, 76, 78, 80, 82, 84, 86, 88, 90, 92, 94, 96, 98, 100, 102, 104, 106, 108, 110, 112, 114, 116, 118, 120, 122, 124, 126], dtype=jnp.int32)


def setup_inputs(seed: int = 0) -> dict:
    key = jax.random.key(seed)
    x = jax.random.normal(key, (16384, 128), dtype=jnp.float32)
    return {"x": x}


def reference(x):
    # torch: y = x[torch.randperm(x.shape[0])]; x[:, mask] = y[:, mask]
    perm = jax.random.permutation(jax.random.key(1), x.shape[0])
    y = jnp.take(x, perm, axis=0)
    out = x.at[:, MASK].set(y[:, MASK])
    return out

if __name__ == "__main__":
    import jax
    _d = setup_inputs()
    print(jax.jit(kernel)(*tuple(_d.values())))

</pallas_src>

<mosaic_0001>
#map = affine_map<(d0, d1) -> (0, 0)>
module attributes {stable_mosaic.version = 14 : i64} {
  func.func @_body(%arg0: i32, %arg1: i32, %arg2: memref<16384x128xf32, #tpu.memory_space<hbm>>, %arg3: memref<128x128xi32, #tpu.memory_space<hbm>>, %arg4: memref<16384x128xf32, #tpu.memory_space<hbm>>, %arg5: memref<4x128xi32, #tpu.memory_space<vmem>>, %arg6: memref<3x128x128xf32, #tpu.memory_space<vmem>>, %arg7: memref<3x128x128xf32, #tpu.memory_space<vmem>>, %arg8: memref<!tpu.dma_semaphore, #tpu.memory_space<semaphore_mem>>, %arg9: memref<!tpu.dma_semaphore, #tpu.memory_space<semaphore_mem>>, %arg10: memref<!tpu.dma_semaphore, #tpu.memory_space<semaphore_mem>>, %arg11: memref<!tpu.dma_semaphore, #tpu.memory_space<semaphore_mem>>, %arg12: memref<!tpu.dma_semaphore, #tpu.memory_space<semaphore_mem>>, %arg13: memref<!tpu.dma_semaphore, #tpu.memory_space<semaphore_mem>>, %arg14: memref<!tpu.dma_semaphore, #tpu.memory_space<semaphore_mem>>, %arg15: memref<!tpu.dma_semaphore, #tpu.memory_space<semaphore_mem>>, %arg16: memref<!tpu.dma_semaphore, #tpu.memory_space<semaphore_mem>>) attributes {dimension_semantics = [#tpu.dimension_semantics<core_parallel>, #tpu.dimension_semantics<subcore_parallel>], iteration_bounds = array<i64: 2, 16>, scalar_prefetch = 0 : i64, scratch_operands = 12 : i64, tpu.core_type = #tpu.core_type<sc_vector_subcore>, window_params = [{transform_indices = #map}, {transform_indices = #map}, {transform_indices = #map}]} {
    %mul3A = arith.constant 2 : i32
    %mul3A_0 = arith.muli %arg1, %mul3A : i32
    %add3A = arith.addi %mul3A_0, %arg0 : i32
    %mul3A_1 = arith.constant 512 : i32
    %mul3A_2 = arith.muli %add3A, %mul3A_1 : i32
    %iota3A = tpu.iota {dimensions = array<i32: 0>} : vector<16xi32>
    %jit3A = arith.constant 2 : i32
    %eq3A = arith.constant 0 : i32
    %eq3A_3 = arith.cmpi eq, %jit3A, %eq3A : i32
    %jit3A_4 = arith.constant 1 : i32
    %select_n3A = arith.select %eq3A_3, %jit3A_4, %jit3A : i32
    %rem3A = vector.broadcast %select_n3A : i32 to vector<16xi32>
    %rem3A_5 = arith.remsi %iota3A, %rem3A : vector<16xi32>
    %ne3A = arith.constant 0 : i32
    %ne3A_6 = vector.broadcast %ne3A : i32 to vector<16xi32>
    %ne3A_7 = arith.cmpi ne, %rem3A_5, %ne3A_6 : vector<16xi32>
    %lt3A = arith.constant 0 : i32
    %lt3A_8 = vector.broadcast %lt3A : i32 to vector<16xi32>
    %lt3A_9 = arith.cmpi slt, %rem3A_5, %lt3A_8 : vector<16xi32>
    %lt3A_10 = arith.constant 0 : i32
    %lt3A_11 = arith.cmpi slt, %select_n3A, %lt3A_10 : i32
    %ne3A_12 = vector.broadcast %lt3A_11 : i1 to vector<16xi1>
    %ne3A_13 = vector.broadcast %ne3A_12 : vector<16xi1> to vector<16xi1>
    %ne3A_14 = arith.xori %lt3A_9, %ne3A_13 : vector<16xi1>
    %and3A = arith.andi %ne3A_14, %ne3A_7 : vector<16xi1>
    %add3A_15 = vector.broadcast %select_n3A : i32 to vector<16xi32>
    %add3A_16 = arith.addi %rem3A_5, %add3A_15 : vector<16xi32>
    %select_n3A_17 = arith.select %and3A, %add3A_16, %rem3A_5 : vector<16xi1>, vector<16xi32>
    %eq3A_18 = arith.constant 0 : i32
    %eq3A_19 = vector.broadcast %eq3A_18 : i32 to vector<16xi32>
    %eq3A_20 = arith.cmpi eq, %select_n3A_17, %eq3A_19 : vector<16xi32>
    %mul3A_21 = arith.constant 4 : i32
    %mul3A_22 = arith.muli %add3A, %mul3A_21 : i32
    "tpu.region"() ({
      %run_scoped3A = tpu.sem_alloc : memref<!tpu.dma_semaphore, #tpu.memory_space<semaphore_mem>>
      %dma_start3A_360 = arith.constant 0 : i32
      %dma_start3A_361 = tpu.memref_slice %arg3[%mul3A_22, %dma_start3A_360] : memref<128x128xi32, #tpu.memory_space<hbm>> -> memref<4x128xi32, #tpu.memory_space<hbm>>
      %dma_start3A_362 = arith.constant 0 : i32
      %dma_start3A_363 = tpu.memref_slice %arg3[%mul3A_22, %dma_start3A_362] : memref<128x128xi32, #tpu.memory_space<hbm>> -> memref<4x128xi32, #tpu.memory_space<hbm>>
      tpu.enqueue_dma source(%dma_start3A_363 : memref<4x128xi32, #tpu.memory_space<hbm>>) target(%arg5 : memref<4x128xi32, #tpu.memory_space<vmem>>) target_semaphore(%run_scoped3A : memref<!tpu.dma_semaphore, #tpu.memory_space<semaphore_mem>>)
      %dma_wait3A_364 = arith.constant 0 : i32
      %dma_wait3A_365 = tpu.memref_slice %arg3[%mul3A_22, %dma_wait3A_364] : memref<128x128xi32, #tpu.memory_space<hbm>> -> memref<4x128xi32, #tpu.memory_space<hbm>>
      %dma_wait3A_366 = arith.constant 0 : i32
      %dma_wait3A_367 = tpu.memref_slice %arg3[%mul3A_22, %dma_wait3A_366] : memref<128x128xi32, #tpu.memory_space<hbm>> -> memref<4x128xi32, #tpu.memory_space<hbm>>
      tpu.wait_dma2 semaphore(%run_scoped3A : memref<!tpu.dma_semaphore, #tpu.memory_space<semaphore_mem>>) src(%dma_wait3A_367 : memref<4x128xi32, #tpu.memory_space<hbm>>) dst(%arg5 : memref<4x128xi32, #tpu.memory_space<vmem>>)
      tpu.yield
    }) : () -> ()
    %add3A_23 = arith.constant 0 : i32
    %add3A_24 = arith.addi %mul3A_2, %add3A_23 : i32
    %dma_start3A = arith.constant 0 : i32
    %dma_start3A_25 = arith.constant 0 : i32
    %dma_start3A_26 = arith.constant 0 : i32
    %dma_start3A_27 = arith.constant 0 : i32
    %dma_start3A_28 = tpu.memref_slice %arg6[%dma_start3A_25, %dma_start3A_26, %dma_start3A_27] : memref<3x128x128xf32, #tpu.memory_space<vmem>> -> memref<1x128x128xf32, #tpu.memory_space<vmem>>
    %dma_start3A_29 = tpu.memref_squeeze %dma_start3A_28 : memref<1x128x128xf32, #tpu.memory_space<vmem>> -> memref<128x128xf32, #tpu.memory_space<vmem>>
    %dma_start3A_30 = arith.constant 0 : i32
    %dma_start3A_31 = tpu.memref_slice %arg5[%dma_start3A, %dma_start3A_30] : memref<4x128xi32, #tpu.memory_space<vmem>> -> memref<1x128xi32, #tpu.memory_space<vmem>>
    %dma_start3A_32 = tpu.memref_squeeze %dma_start3A_31 : memref<1x128xi32, #tpu.memory_space<vmem>> -> memref<128xi32, #tpu.memory_space<vmem>>
    %dma_start3A_33 = arith.constant 0 : i32
    %dma_start3A_34 = arith.constant 0 : i32
    %dma_start3A_35 = tpu.memref_slice %arg2[%dma_start3A_33, %dma_start3A_34] : memref<16384x128xf32, #tpu.memory_space<hbm>> -> memref<16384x128xf32, #tpu.memory_space<hbm>>
    tpu.enqueue_indirect_dma source(%dma_start3A_35 : memref<16384x128xf32, #tpu.memory_space<hbm>>) target(%dma_start3A_29 : memref<128x128xf32, #tpu.memory_space<vmem>>) offsets(%dma_start3A_32 : memref<128xi32, #tpu.memory_space<vmem>>) semaphore(%arg8 : memref<!tpu.dma_semaphore, #tpu.memory_space<semaphore_mem>>)
    %dma_start3A_36 = arith.constant 0 : i32
    %dma_start3A_37 = arith.constant 0 : i32
    %dma_start3A_38 = arith.constant 0 : i32
    %dma_start3A_39 = tpu.memref_slice %arg7[%dma_start3A_36, %dma_start3A_37, %dma_start3A_38] : memref<3x128x128xf32, #tpu.memory_space<vmem>> -> memref<1x128x128xf32, #tpu.memory_space<vmem>>
    %dma_start3A_40 = tpu.memref_squeeze %dma_start3A_39 : memref<1x128x128xf32, #tpu.memory_space<vmem>> -> memref<128x128xf32, #tpu.memory_space<vmem>>
    %dma_start3A_41 = arith.constant 0 : i32
    %dma_start3A_42 = tpu.memref_slice %arg2[%add3A_24, %dma_start3A_41] : memref<16384x128xf32, #tpu.memory_space<hbm>> -> memref<128x128xf32, #tpu.memory_space<hbm>>
    %dma_start3A_43 = arith.constant 0 : i32
    %dma_start3A_44 = arith.constant 0 : i32
    %dma_start3A_45 = tpu.memref_slice %arg7[%dma_start3A_36, %dma_start3A_43, %dma_start3A_44] : memref<3x128x128xf32, #tpu.memory_space<vmem>> -> memref<1x128x128xf32, #tpu.memory_space<vmem>>
    %dma_start3A_46 = tpu.memref_squeeze %dma_start3A_45 : memref<1x128x128xf32, #tpu.memory_space<vmem>> -> memref<128x128xf32, #tpu.memory_space<vmem>>
    %dma_start3A_47 = arith.constant 0 : i32
    %dma_start3A_48 = tpu.memref_slice %arg2[%add3A_24, %dma_start3A_47] : memref<16384x128xf32, #tpu.memory_space<hbm>> -> memref<128x128xf32, #tpu.memory_space<hbm>>
    tpu.enqueue_dma source(%dma_start3A_48 : memref<128x128xf32, #tpu.memory_space<hbm>>) target(%dma_start3A_46 : memref<128x128xf32, #tpu.memory_space<vmem>>) target_semaphore(%arg11 : memref<!tpu.dma_semaphore, #tpu.memory_space<semaphore_mem>>)
    %add3A_49 = arith.constant 128 : i32
    %add3A_50 = arith.addi %mul3A_2, %add3A_49 : i32
    %dma_start3A_51 = arith.constant 1 : i32
    %dma_start3A_52 = arith.constant 1 : i32
    %dma_start3A_53 = arith.constant 0 : i32
    %dma_start3A_54 = arith.constant 0 : i32
    %dma_start3A_55 = tpu.memref_slice %arg6[%dma_start3A_52, %dma_start3A_53, %dma_start3A_54] : memref<3x128x128xf32, #tpu.memory_space<vmem>> -> memref<1x128x128xf32, #tpu.memory_space<vmem>>
    %dma_start3A_56 = tpu.memref_squeeze %dma_start3A_55 : memref<1x128x128xf32, #tpu.memory_space<vmem>> -> memref<128x128xf32, #tpu.memory_space<vmem>>
    %dma_start3A_57 = arith.constant 0 : i32
    %dma_start3A_58 = tpu.memref_slice %arg5[%dma_start3A_51, %dma_start3A_57] : memref<4x128xi32, #tpu.memory_space<vmem>> -> memref<1x128xi32, #tpu.memory_space<vmem>>
    %dma_start3A_59 = tpu.memref_squeeze %dma_start3A_58 : memref<1x128xi32, #tpu.memory_space<vmem>> -> memref<128xi32, #tpu.memory_space<vmem>>
    %dma_start3A_60 = arith.constant 0 : i32
    %dma_start3A_61 = arith.constant 0 : i32
    %dma_start3A_62 = tpu.memref_slice %arg2[%dma_start3A_60, %dma_start3A_61] : memref<16384x128xf32, #tpu.memory_space<hbm>> -> memref<16384x128xf32, #tpu.memory_space<hbm>>
    tpu.enqueue_indirect_dma source(%dma_start3A_62 : memref<16384x128xf32, #tpu.memory_space<hbm>>) target(%dma_start3A_56 : memref<128x128xf32, #tpu.memory_space<vmem>>) offsets(%dma_start3A_59 : memref<128xi32, #tpu.memory_space<vmem>>) semaphore(%arg9 : memref<!tpu.dma_semaphore, #tpu.memory_space<semaphore_mem>>)
    %dma_start3A_63 = arith.constant 1 : i32
    %dma_start3A_64 = arith.constant 0 : i32
    %dma_start3A_65 = arith.constant 0 : i32
    %dma_start3A_66 = tpu.memref_slice %arg7[%dma_start3A_63, %dma_start3A_64, %dma_start3A_65] : memref<3x128x128xf32, #tpu.memory_space<vmem>> -> memref<1x128x128xf32, #tpu.memory_space<vmem>>
    %dma_start3A_67 = tpu.memref_squeeze %dma_start3A_66 : memref<1x128x128xf32, #tpu.memory_space<vmem>> -> memref<128x128xf32, #tpu.memory_space<vmem>>
    %dma_start3A_68 = arith.constant 0 : i32
    %dma_start3A_69 = tpu.memref_slice %arg2[%add3A_50, %dma_start3A_68] : memref<16384x128xf32, #tpu.memory_space<hbm>> -> memref<128x128xf32, #tpu.memory_space<hbm>>
    %dma_start3A_70 = arith.constant 0 : i32
    %dma_start3A_71 = arith.constant 0 : i32
    %dma_start3A_72 = tpu.memref_slice %arg7[%dma_start3A_63, %dma_start3A_70, %dma_start3A_71] : memref<3x128x128xf32, #tpu.memory_space<vmem>> -> memref<1x128x128xf32, #tpu.memory_space<vmem>>
    %dma_start3A_73 = tpu.memref_squeeze %dma_start3A_72 : memref<1x128x128xf32, #tpu.memory_space<vmem>> -> memref<128x128xf32, #tpu.memory_space<vmem>>
    %dma_start3A_74 = arith.constant 0 : i32
    %dma_start3A_75 = tpu.memref_slice %arg2[%add3A_50, %dma_start3A_74] : memref<16384x128xf32, #tpu.memory_space<hbm>> -> memref<128x128xf32, #tpu.memory_space<hbm>>
    tpu.enqueue_dma source(%dma_start3A_75 : memref<128x128xf32, #tpu.memory_space<hbm>>) target(%dma_start3A_73 : memref<128x128xf32, #tpu.memory_space<vmem>>) target_semaphore(%arg12 : memref<!tpu.dma_semaphore, #tpu.memory_space<semaphore_mem>>)
    %add3A_76 = arith.constant 256 : i32
    %add3A_77 = arith.addi %mul3A_2, %add3A_76 : i32
    %dma_start3A_78 = arith.constant 2 : i32
    %dma_start3A_79 = arith.constant 2 : i32
    %dma_start3A_80 = arith.constant 0 : i32
    %dma_start3A_81 = arith.constant 0 : i32
    %dma_start3A_82 = tpu.memref_slice %arg6[%dma_start3A_79, %dma_start3A_80, %dma_start3A_81] : memref<3x128x128xf32, #tpu.memory_space<vmem>> -> memref<1x128x128xf32, #tpu.memory_space<vmem>>
    %dma_start3A_83 = tpu.memref_squeeze %dma_start3A_82 : memref<1x128x128xf32, #tpu.memory_space<vmem>> -> memref<128x128xf32, #tpu.memory_space<vmem>>
    %dma_start3A_84 = arith.constant 0 : i32
    %dma_start3A_85 = tpu.memref_slice %arg5[%dma_start3A_78, %dma_start3A_84] : memref<4x128xi32, #tpu.memory_space<vmem>> -> memref<1x128xi32, #tpu.memory_space<vmem>>
    %dma_start3A_86 = tpu.memref_squeeze %dma_start3A_85 : memref<1x128xi32, #tpu.memory_space<vmem>> -> memref<128xi32, #tpu.memory_space<vmem>>
    %dma_start3A_87 = arith.constant 0 : i32
    %dma_start3A_88 = arith.constant 0 : i32
    %dma_start3A_89 = tpu.memref_slice %arg2[%dma_start3A_87, %dma_start3A_88] : memref<16384x128xf32, #tpu.memory_space<hbm>> -> memref<16384x128xf32, #tpu.memory_space<hbm>>
    tpu.enqueue_indirect_dma source(%dma_start3A_89 : memref<16384x128xf32, #tpu.memory_space<hbm>>) target(%dma_start3A_83 : memref<128x128xf32, #tpu.memory_space<vmem>>) offsets(%dma_start3A_86 : memref<128xi32, #tpu.memory_space<vmem>>) semaphore(%arg10 : memref<!tpu.dma_semaphore, #tpu.memory_space<semaphore_mem>>)
    %dma_start3A_90 = arith.constant 2 : i32
    %dma_start3A_91 = arith.constant 0 : i32
    %dma_start3A_92 = arith.constant 0 : i32
    %dma_start3A_93 = tpu.memref_slice %arg7[%dma_start3A_90, %dma_start3A_91, %dma_start3A_92] : memref<3x128x128xf32, #tpu.memory_space<vmem>> -> memref<1x128x128xf32, #tpu.memory_space<vmem>>
    %dma_start3A_94 = tpu.memref_squeeze %dma_start3A_93 : memref<1x128x128xf32, #tpu.memory_space<vmem>> -> memref<128x128xf32, #tpu.memory_space<vmem>>
    %dma_start3A_95 = arith.constant 0 : i32
    %dma_start3A_96 = tpu.memref_slice %arg2[%add3A_77, %dma_start3A_95] : memref<16384x128xf32, #tpu.memory_space<hbm>> -> memref<128x128xf32, #tpu.memory_space<hbm>>
    %dma_start3A_97 = arith.constant 0 : i32
    %dma_start3A_98 = arith.constant 0 : i32
    %dma_start3A_99 = tpu.memref_slice %arg7[%dma_start3A_90, %dma_start3A_97, %dma_start3A_98] : memref<3x128x128xf32, #tpu.memory_space<vmem>> -> memref<1x128x128xf32, #tpu.memory_space<vmem>>
    %dma_start3A_100 = tpu.memref_squeeze %dma_start3A_99 : memref<1x128x128xf32, #tpu.memory_space<vmem>> -> memref<128x128xf32, #tpu.memory_space<vmem>>
    %dma_start3A_101 = arith.constant 0 : i32
    %dma_start3A_102 = tpu.memref_slice %arg2[%add3A_77, %dma_start3A_101] : memref<16384x128xf32, #tpu.memory_space<hbm>> -> memref<128x128xf32, #tpu.memory_space<hbm>>
    tpu.enqueue_dma source(%dma_start3A_102 : memref<128x128xf32, #tpu.memory_space<hbm>>) target(%dma_start3A_100 : memref<128x128xf32, #tpu.memory_space<vmem>>) target_semaphore(%arg13 : memref<!tpu.dma_semaphore, #tpu.memory_space<semaphore_mem>>)
    %dma_wait3A = arith.constant 0 : i32
    %dma_wait3A_103 = arith.constant 0 : i32
    %dma_wait3A_104 = arith.constant 0 : i32
    %dma_wait3A_105 = arith.constant 0 : i32
    %dma_wait3A_106 = tpu.memref_slice %arg6[%dma_wait3A_103, %dma_wait3A_104, %dma_wait3A_105] : memref<3x128x128xf32, #tpu.memory_space<vmem>> -> memref<1x128x128xf32, #tpu.memory_space<vmem>>
    %dma_wait3A_107 = tpu.memref_squeeze %dma_wait3A_106 : memref<1x128x128xf32, #tpu.memory_space<vmem>> -> memref<128x128xf32, #tpu.memory_space<vmem>>
    %dma_wait3A_108 = arith.constant 0 : i32
    %dma_wait3A_109 = tpu.memref_slice %arg5[%dma_wait3A, %dma_wait3A_108] : memref<4x128xi32, #tpu.memory_space<vmem>> -> memref<1x128xi32, #tpu.memory_space<vmem>>
    %dma_wait3A_110 = tpu.memref_squeeze %dma_wait3A_109 : memref<1x128xi32, #tpu.memory_space<vmem>> -> memref<128xi32, #tpu.memory_space<vmem>>
    %dma_wait3A_111 = arith.constant 0 : i32
    %dma_wait3A_112 = arith.constant 0 : i32
    %dma_wait3A_113 = tpu.memref_slice %arg2[%dma_wait3A_111, %dma_wait3A_112] : memref<16384x128xf32, #tpu.memory_space<hbm>> -> memref<16384x128xf32, #tpu.memory_space<hbm>>
    tpu.wait_indirect_dma semaphore(%arg8 : memref<!tpu.dma_semaphore, #tpu.memory_space<semaphore_mem>>) src(%dma_wait3A_113 : memref<16384x128xf32, #tpu.memory_space<hbm>>) dst(%dma_wait3A_107 : memref<128x128xf32, #tpu.memory_space<vmem>>)
    %dma_wait3A_114 = arith.constant 0 : i32
    %dma_wait3A_115 = arith.constant 0 : i32
    %dma_wait3A_116 = arith.constant 0 : i32
    %dma_wait3A_117 = tpu.memref_slice %arg7[%dma_wait3A_114, %dma_wait3A_115, %dma_wait3A_116] : memref<3x128x128xf32, #tpu.memory_space<vmem>> -> memref<1x128x128xf32, #tpu.memory_space<vmem>>
    %dma_wait3A_118 = tpu.memref_squeeze %dma_wait3A_117 : memref<1x128x128xf32, #tpu.memory_space<vmem>> -> memref<128x128xf32, #tpu.memory_space<vmem>>
    %dma_wait3A_119 = arith.constant 0 : i32
    %dma_wait3A_120 = tpu.memref_slice %arg2[%add3A_24, %dma_wait3A_119] : memref<16384x128xf32, #tpu.memory_space<hbm>> -> memref<128x128xf32, #tpu.memory_space<hbm>>
    %dma_wait3A_121 = arith.constant 0 : i32
    %dma_wait3A_122 = arith.constant 0 : i32
    %dma_wait3A_123 = tpu.memref_slice %arg7[%dma_wait3A_114, %dma_wait3A_121, %dma_wait3A_122] : memref<3x128x128xf32, #tpu.memory_space<vmem>> -> memref<1x128x128xf32, #tpu.memory_space<vmem>>
    %dma_wait3A_124 = tpu.memref_squeeze %dma_wait3A_123 : memref<1x128x128xf32, #tpu.memory_space<vmem>> -> memref<128x128xf32, #tpu.memory_space<vmem>>
    %dma_wait3A_125 = arith.constant 0 : i32
    %dma_wait3A_126 = tpu.memref_slice %arg2[%add3A_24, %dma_wait3A_125] : memref<16384x128xf32, #tpu.memory_space<hbm>> -> memref<128x128xf32, #tpu.memory_space<hbm>>
    tpu.wait_dma2 semaphore(%arg11 : memref<!tpu.dma_semaphore, #tpu.memory_space<semaphore_mem>>) src(%dma_wait3A_126 : memref<128x128xf32, #tpu.memory_space<hbm>>) dst(%dma_wait3A_124 : memref<128x128xf32, #tpu.memory_space<vmem>>)
    %parallel_loop3A = arith.constant 0 : i32
    %parallel_loop3A_127 = arith.constant 128 : i32
    %parallel_loop3A_128 = arith.constant 1 : i32
    %parallel_loop3A_129 = arith.constant 0 : i32
    %parallel_loop3A_130 = arith.constant 0 : i32
    scf.for %parallel_loop3A_360 = %parallel_loop3A to %parallel_loop3A_127 step %parallel_loop3A_128  : i32 {
      %parallel_loop3A_361 = arith.constant 0 : i32
      %parallel_loop3A_362 = arith.constant 0 : i32
      %parallel_loop3A_363 = tpu.memref_slice %arg6[%parallel_loop3A_129, %parallel_loop3A_361, %parallel_loop3A_362] : memref<3x128x128xf32, #tpu.memory_space<vmem>> -> memref<1x128x128xf32, #tpu.memory_space<vmem>>
      %parallel_loop3A_364 = tpu.memref_squeeze %parallel_loop3A_363 : memref<1x128x128xf32, #tpu.memory_space<vmem>> -> memref<128x128xf32, #tpu.memory_space<vmem>>
      %parallel_loop3A_365 = arith.index_cast %parallel_loop3A_360 : i32 to index
      %parallel_loop3A_366 = arith.constant 0 : index
      %parallel_loop3A_367 = tpu.vector_load %parallel_loop3A_364[%parallel_loop3A_365, %parallel_loop3A_366] {strides = array<i32>} : memref<128x128xf32, #tpu.memory_space<vmem>>, vector<1x16xf32>,
      %parallel_loop3A_368 = vector.shape_cast %parallel_loop3A_367 : vector<1x16xf32> to vector<16xf32>
      %parallel_loop3A_369 = arith.constant 0 : i32
      %parallel_loop3A_370 = arith.constant 0 : i32
      %parallel_loop3A_371 = tpu.memref_slice %arg7[%parallel_loop3A_130, %parallel_loop3A_369, %parallel_loop3A_370] : memref<3x128x128xf32, #tpu.memory_space<vmem>> -> memref<1x128x128xf32, #tpu.memory_space<vmem>>
      %parallel_loop3A_372 = tpu.memref_squeeze %parallel_loop3A_371 : memref<1x128x128xf32, #tpu.memory_space<vmem>> -> memref<128x128xf32, #tpu.memory_space<vmem>>
      %parallel_loop3A_373 = arith.index_cast %parallel_loop3A_360 : i32 to index
      %parallel_loop3A_374 = arith.constant 0 : index
      %parallel_loop3A_375 = tpu.vector_load %parallel_loop3A_372[%parallel_loop3A_373, %parallel_loop3A_374] {strides = array<i32>} : memref<128x128xf32, #tpu.memory_space<vmem>>, vector<1x16xf32>,
      %parallel_loop3A_376 = vector.shape_cast %parallel_loop3A_375 : vector<1x16xf32> to vector<16xf32>
      %parallel_loop3A_377 = arith.select %eq3A_20, %parallel_loop3A_368, %parallel_loop3A_376 : vector<16xi1>, vector<16xf32>
      %parallel_loop3A_378 = arith.constant 0 : i32
      %parallel_loop3A_379 = arith.constant 0 : i32
      %parallel_loop3A_380 = tpu.memref_slice %arg7[%parallel_loop3A_130, %parallel_loop3A_378, %parallel_loop3A_379] : memref<3x128x128xf32, #tpu.memory_space<vmem>> -> memref<1x128x128xf32, #tpu.memory_space<vmem>>
      %parallel_loop3A_381 = tpu.memref_squeeze %parallel_loop3A_380 : memref<1x128x128xf32, #tpu.memory_space<vmem>> -> memref<128x128xf32, #tpu.memory_space<vmem>>
      %parallel_loop3A_382 = arith.index_cast %parallel_loop3A_360 : i32 to index
      %parallel_loop3A_383 = arith.constant 0 : index
      %parallel_loop3A_384 = tpu.vector_load %parallel_loop3A_381[%parallel_loop3A_382, %parallel_loop3A_383] {strides = array<i32>} : memref<128x128xf32, #tpu.memory_space<vmem>>, vector<1x16xf32>,
      %parallel_loop3A_385 = vector.shape_cast %parallel_loop3A_384 : vector<1x16xf32> to vector<16xf32>
      %parallel_loop3A_386 = vector.shape_cast %parallel_loop3A_377 : vector<16xf32> to vector<1x16xf32>
      tpu.vector_store %parallel_loop3A_381[%parallel_loop3A_382, %parallel_loop3A_383], %parallel_loop3A_386 {strides = array<i32>} : memref<128x128xf32, #tpu.memory_space<vmem>>, vector<1x16xf32>,
      %parallel_loop3A_387 = arith.constant 0 : i32
      %parallel_loop3A_388 = arith.constant 0 : i32
      %parallel_loop3A_389 = tpu.memref_slice %arg6[%parallel_loop3A_129, %parallel_loop3A_387, %parallel_loop3A_388] : memref<3x128x128xf32, #tpu.memory_space<vmem>> -> memref<1x128x128xf32, #tpu.memory_space<vmem>>
      %parallel_loop3A_390 = tpu.memref_squeeze %parallel_loop3A_389 : memref<1x128x128xf32, #tpu.memory_space<vmem>> -> memref<128x128xf32, #tpu.memory_space<vmem>>
      %parallel_loop3A_391 = arith.index_cast %parallel_loop3A_360 : i32 to index
      %parallel_loop3A_392 = arith.constant 16 : index
      %parallel_loop3A_393 = tpu.vector_load %parallel_loop3A_390[%parallel_loop3A_391, %parallel_loop3A_392] {strides = array<i32>} : memref<128x128xf32, #tpu.memory_space<vmem>>, vector<1x16xf32>,
      %parallel_loop3A_394 = vector.shape_cast %parallel_loop3A_393 : vector<1x16xf32> to vector<16xf32>
      %parallel_loop3A_395 = arith.constant 0 : i32
      %parallel_loop3A_396 = arith.constant 0 : i32
      %parallel_loop3A_397 = tpu.memref_slice %arg7[%parallel_loop3A_130, %parallel_loop3A_395, %parallel_loop3A_396] : memref<3x128x128xf32, #tpu.memory_space<vmem>> -> memref<1x128x128xf32, #tpu.memory_space<vmem>>
      %parallel_loop3A_398 = tpu.memref_squeeze %parallel_loop3A_397 : memref<1x128x128xf32, #tpu.memory_space<vmem>> -> memref<128x128xf32, #tpu.memory_space<vmem>>
      %parallel_loop3A_399 = arith.index_cast %parallel_loop3A_360 : i32 to index
      %parallel_loop3A_400 = arith.constant 16 : index
      %parallel_loop3A_401 = tpu.vector_load %parallel_loop3A_398[%parallel_loop3A_399, %parallel_loop3A_400] {strides = array<i32>} : memref<128x128xf32, #tpu.memory_space<vmem>>, vector<1x16xf32>,
      %parallel_loop3A_402 = vector.shape_cast %parallel_loop3A_401 : vector<1x16xf32> to vector<16xf32>
      %parallel_loop3A_403 = arith.select %eq3A_20, %parallel_loop3A_394, %parallel_loop3A_402 : vector<16xi1>, vector<16xf32>
      %parallel_loop3A_404 = arith.constant 0 : i32
      %parallel_loop3A_405 = arith.constant 0 : i32
      %parallel_loop3A_406 = tpu.memref_slice %arg7[%parallel_loop3A_130, %parallel_loop3A_404, %parallel_loop3A_405] : memref<3x128x128xf32, #tpu.memory_space<vmem>> -> memref<1x128x128xf32, #tpu.memory_space<vmem>>
      %parallel_loop3A_407 = tpu.memref_squeeze %parallel_loop3A_406 : memref<1x128x128xf32, #tpu.memory_space<vmem>> -> memref<128x128xf32, #tpu.memory_space<vmem>>
      %parallel_loop3A_408 = arith.index_cast %parallel_loop3A_360 : i32 to index
      %parallel_loop3A_409 = arith.constant 16 : index
      %parallel_loop3A_410 = tpu.vector_load %parallel_loop3A_407[%parallel_loop3A_408, %parallel_loop3A_409] {strides = array<i32>} : memref<128x128xf32, #tpu.memory_space<vmem>>, vector<1x16xf32>,
      %parallel_loop3A_411 = vector.shape_cast %parallel_loop3A_410 : vector<1x16xf32> to vector<16xf32>
      %parallel_loop3A_412 = vector.shape_cast %parallel_loop3A_403 : vector<16xf32> to vector<1x16xf32>
      tpu.vector_store %parallel_loop3A_407[%parallel_loop3A_408, %parallel_loop3A_409], %parallel_loop3A_412 {strides = array<i32>} : memref<128x128xf32, #tpu.memory_space<vmem>>, vector<1x16xf32>,
      %parallel_loop3A_413 = arith.constant 0 : i32
      %parallel_loop3A_414 = arith.constant 0 : i32
      %parallel_loop3A_415 = tpu.memref_slice %arg6[%parallel_loop3A_129, %parallel_loop3A_413, %parallel_loop3A_414] : memref<3x128x128xf32, #tpu.memory_space<vmem>> -> memref<1x128x128xf32, #tpu.memory_space<vmem>>
      %parallel_loop3A_416 = tpu.memref_squeeze %parallel_loop3A_415 : memref<1x128x128xf32, #tpu.memory_space<vmem>> -> memref<128x128xf32, #tpu.memory_space<vmem>>
      %parallel_loop3A_417 = arith.index_cast %parallel_loop3A_360 : i32 to index
      %parallel_loop3A_418 = arith.constant 32 : index
      %parallel_loop3A_419 = tpu.vector_load %parallel_loop3A_416[%parallel_loop3A_417, %parallel_loop3A_418] {strides = array<i32>} : memref<128x128xf32, #tpu.memory_space<vmem>>, vector<1x16xf32>,
      %parallel_loop3A_420 = vector.shape_cast %parallel_loop3A_419 : vector<1x16xf32> to vector<16xf32>
      %parallel_loop3A_421 = arith.constant 0 : i32
      %parallel_loop3A_422 = arith.constant 0 : i32
      %parallel_loop3A_423 = tpu.memref_slice %arg7[%parallel_loop3A_130, %parallel_loop3A_421, %parallel_loop3A_422] : memref<3x128x128xf32, #tpu.memory_space<vmem>> -> memref<1x128x128xf32, #tpu.memory_space<vmem>>
      %parallel_loop3A_424 = tpu.memref_squeeze %parallel_loop3A_423 : memref<1x128x128xf32, #tpu.memory_space<vmem>> -> memref<128x128xf32, #tpu.memory_space<vmem>>
      %parallel_loop3A_425 = arith.index_cast %parallel_loop3A_360 : i32 to index
      %parallel_loop3A_426 = arith.constant 32 : index
      %parallel_loop3A_427 = tpu.vector_load %parallel_loop3A_424[%parallel_loop3A_425, %parallel_loop3A_426] {strides = array<i32>} : memref<128x128xf32, #tpu.memory_space<vmem>>, vector<1x16xf32>,
      %parallel_loop3A_428 = vector.shape_cast %parallel_loop3A_427 : vector<1x16xf32> to vector<16xf32>
      %parallel_loop3A_429 = arith.select %eq3A_20, %parallel_loop3A_420, %parallel_loop3A_428 : vector<16xi1>, vector<16xf32>
      %parallel_loop3A_430 = arith.constant 0 : i32
      %parallel_loop3A_431 = arith.constant 0 : i32
      %parallel_loop3A_432 = tpu.memref_slice %arg7[%parallel_loop3A_130, %parallel_loop3A_430, %parallel_loop3A_431] : memref<3x128x128xf32, #tpu.memory_space<vmem>> -> memref<1x128x128xf32, #tpu.memory_space<vmem>>
      %parallel_loop3A_433 = tpu.memref_squeeze %parallel_loop3A_432 : memref<1x128x128xf32, #tpu.memory_space<vmem>> -> memref<128x128xf32, #tpu.memory_space<vmem>>
      %parallel_loop3A_434 = arith.index_cast %parallel_loop3A_360 : i32 to index
      %parallel_loop3A_435 = arith.constant 32 : index
      %parallel_loop3A_436 = tpu.vector_load %parallel_loop3A_433[%parallel_loop3A_434, %parallel_loop3A_435] {strides = array<i32>} : memref<128x128xf32, #tpu.memory_space<vmem>>, vector<1x16xf32>,
      %parallel_loop3A_437 = vector.shape_cast %parallel_loop3A_436 : vector<1x16xf32> to vector<16xf32>
      %parallel_loop3A_438 = vector.shape_cast %parallel_loop3A_429 : vector<16xf32> to vector<1x16xf32>
      tpu.vector_store %parallel_loop3A_433[%parallel_loop3A_434, %parallel_loop3A_435], %parallel_loop3A_438 {strides = array<i32>} : memref<128x128xf32, #tpu.memory_space<vmem>>, vector<1x16xf32>,
      %parallel_loop3A_439 = arith.constant 0 : i32
      %parallel_loop3A_440 = arith.constant 0 : i32
      %parallel_loop3A_441 = tpu.memref_slice %arg6[%parallel_loop3A_129, %parallel_loop3A_439, %parallel_loop3A_440] : memref<3x128x128xf32, #tpu.memory_space<vmem>> -> memref<1x128x128xf32, #tpu.memory_space<vmem>>
      %parallel_loop3A_442 = tpu.memref_squeeze %parallel_loop3A_441 : memref<1x128x128xf32, #tpu.memory_space<vmem>> -> memref<128x128xf32, #tpu.memory_space<vmem>>
      %parallel_loop3A_443 = arith.index_cast %parallel_loop3A_360 : i32 to index
      %parallel_loop3A_444 = arith.constant 48 : index
      %parallel_loop3A_445 = tpu.vector_load %parallel_loop3A_442[%parallel_loop3A_443, %parallel_loop3A_444] {strides = array<i32>} : memref<128x128xf32, #tpu.memory_space<vmem>>, vector<1x16xf32>,
      %parallel_loop3A_446 = vector.shape_cast %parallel_loop3A_445 : vector<1x16xf32> to vector<16xf32>
      %parallel_loop3A_447 = arith.constant 0 : i32
      %parallel_loop3A_448 = arith.constant 0 : i32
      %parallel_loop3A_449 = tpu.memref_slice %arg7[%parallel_loop3A_130, %parallel_loop3A_447, %parallel_loop3A_448] : memref<3x128x128xf32, #tpu.memory_space<vmem>> -> memref<1x128x128xf32, #tpu.memory_space<vmem>>
      %parallel_loop3A_450 = tpu.memref_squeeze %parallel_loop3A_449 : memref<1x128x128xf32, #tpu.memory_space<vmem>> -> memref<128x128xf32, #tpu.memory_space<vmem>>
      %parallel_loop3A_451 = arith.index_cast %parallel_loop3A_360 : i32 to index
      %parallel_loop3A_452 = arith.constant 48 : index
      %parallel_loop3A_453 = tpu.vector_load %parallel_loop3A_450[%parallel_loop3A_451, %parallel_loop3A_452] {strides = array<i32>} : memref<128x128xf32, #tpu.memory_space<vmem>>, vector<1x16xf32>,
      %parallel_loop3A_454 = vector.shape_cast %parallel_loop3A_453 : vector<1x16xf32> to vector<16xf32>
      %parallel_loop3A_455 = arith.select %eq3A_20, %parallel_loop3A_446, %parallel_loop3A_454 : vector<16xi1>, vector<16xf32>
      %parallel_loop3A_456 = arith.constant 0 : i32
      %parallel_loop3A_457 = arith.constant 0 : i32
      %parallel_loop3A_458 = tpu.memref_slice %arg7[%parallel_loop3A_130, %parallel_loop3A_456, %parallel_loop3A_457] : memref<3x128x128xf32, #tpu.memory_space<vmem>> -> memref<1x128x128xf32, #tpu.memory_space<vmem>>
      %parallel_loop3A_459 = tpu.memref_squeeze %parallel_loop3A_458 : memref<1x128x128xf32, #tpu.memory_space<vmem>> -> memref<128x128xf32, #tpu.memory_space<vmem>>
      %parallel_loop3A_460 = arith.index_cast %parallel_loop3A_360 : i32 to index
      %parallel_loop3A_461 = arith.constant 48 : index
      %parallel_loop3A_462 = tpu.vector_load %parallel_loop3A_459[%parallel_loop3A_460, %parallel_loop3A_461] {strides = array<i32>} : memref<128x128xf32, #tpu.memory_space<vmem>>, vector<1x16xf32>,
      %parallel_loop3A_463 = vector.shape_cast %parallel_loop3A_462 : vector<1x16xf32> to vector<16xf32>
      %parallel_loop3A_464 = vector.shape_cast %parallel_loop3A_455 : vector<16xf32> to vector<1x16xf32>
      tpu.vector_store %parallel_loop3A_459[%parallel_loop3A_460, %parallel_loop3A_461], %parallel_loop3A_464 {strides = array<i32>} : memref<128x128xf32, #tpu.memory_space<vmem>>, vector<1x16xf32>,
      %parallel_loop3A_465 = arith.constant 0 : i32
      %parallel_loop3A_466 = arith.constant 0 : i32
      %parallel_loop3A_467 = tpu.memref_slice %arg6[%parallel_loop3A_129, %parallel_loop3A_465, %parallel_loop3A_466] : memref<3x128x128xf32, #tpu.memory_space<vmem>> -> memref<1x128x128xf32, #tpu.memory_space<vmem>>
      %parallel_loop3A_468 = tpu.memref_squeeze %parallel_loop3A_467 : memref<1x128x128xf32, #tpu.memory_space<vmem>> -> memref<128x128xf32, #tpu.memory_space<vmem>>
      %parallel_loop3A_469 = arith.index_cast %parallel_loop3A_360 : i32 to index
      %parallel_loop3A_470 = arith.constant 64 : index
      %parallel_loop3A_471 = tpu.vector_load %parallel_loop3A_468[%parallel_loop3A_469, %parallel_loop3A_470] {strides = array<i32>} : memref<128x128xf32, #tpu.memory_space<vmem>>, vector<1x16xf32>,
      %parallel_loop3A_472 = vector.shape_cast %parallel_loop3A_471 : vector<1x16xf32> to vector<16xf32>
      %parallel_loop3A_473 = arith.constant 0 : i32
      %parallel_loop3A_474 = arith.constant 0 : i32
      %parallel_loop3A_475 = tpu.memref_slice %arg7[%parallel_loop3A_130, %parallel_loop3A_473, %parallel_loop3A_474] : memref<3x128x128xf32, #tpu.memory_space<vmem>> -> memref<1x128x128xf32, #tpu.memory_space<vmem>>
      %parallel_loop3A_476 = tpu.memref_squeeze %parallel_loop3A_475 : memref<1x128x128xf32, #tpu.memory_space<vmem>> -> memref<128x128xf32, #tpu.memory_space<vmem>>
      %parallel_loop3A_477 = arith.index_cast %parallel_loop3A_360 : i32 to index
      %parallel_loop3A_478 = arith.constant 64 : index
      %parallel_loop3A_479 = tpu.vector_load %parallel_loop3A_476[%parallel_loop3A_477, %parallel_loop3A_478] {strides = array<i32>} : memref<128x128xf32, #tpu.memory_space<vmem>>, vector<1x16xf32>,
      %parallel_loop3A_480 = vector.shape_cast %parallel_loop3A_479 : vector<1x16xf32> to vector<16xf32>
      %parallel_loop3A_481 = arith.select %eq3A_20, %parallel_loop3A_472, %parallel_loop3A_480 : vector<16xi1>, vector<16xf32>
      %parallel_loop3A_482 = arith.constant 0 : i32
      %parallel_loop3A_483 = arith.constant 0 : i32
      %parallel_loop3A_484 = tpu.memref_slice %arg7[%parallel_loop3A_130, %parallel_loop3A_482, %parallel_loop3A_483] : memref<3x128x128xf32, #tpu.memory_space<vmem>> -> memref<1x128x128xf32, #tpu.memory_space<vmem>>
      %parallel_loop3A_485 = tpu.memref_squeeze %parallel_loop3A_484 : memref<1x128x128xf32, #tpu.memory_space<vmem>> -> memref<128x128xf32, #tpu.memory_space<vmem>>
      %parallel_loop3A_486 = arith.index_cast %parallel_loop3A_360 : i32 to index
      %parallel_loop3A_487 = arith.constant 64 : index
      %parallel_loop3A_488 = tpu.vector_load %parallel_loop3A_485[%parallel_loop3A_486, %parallel_loop3A_487] {strides = array<i32>} : memref<128x128xf32, #tpu.memory_space<vmem>>, vector<1x16xf32>,
      %parallel_loop3A_489 = vector.shape_cast %parallel_loop3A_488 : vector<1x16xf32> to vector<16xf32>
      %parallel_loop3A_490 = vector.shape_cast %parallel_loop3A_481 : vector<16xf32> to vector<1x16xf32>
      tpu.vector_store %parallel_loop3A_485[%parallel_loop3A_486, %parallel_loop3A_487], %parallel_loop3A_490 {strides = array<i32>} : memref<128x128xf32, #tpu.memory_space<vmem>>, vector<1x16xf32>,
      %parallel_loop3A_491 = arith.constant 0 : i32
      %parallel_loop3A_492 = arith.constant 0 : i32
      %parallel_loop3A_493 = tpu.memref_slice %arg6[%parallel_loop3A_129, %parallel_loop3A_491, %parallel_loop3A_492] : memref<3x128x128xf32, #tpu.memory_space<vmem>> -> memref<1x128x128xf32, #tpu.memory_space<vmem>>
      %parallel_loop3A_494 = tpu.memref_squeeze %parallel_loop3A_493 : memref<1x128x128xf32, #tpu.memory_space<vmem>> -> memref<128x128xf32, #tpu.memory_space<vmem>>
      %parallel_loop3A_495 = arith.index_cast %parallel_loop3A_360 : i32 to index
      %parallel_loop3A_496 = arith.constant 80 : index
      %parallel_loop3A_497 = tpu.vector_load %parallel_loop3A_494[%parallel_loop3A_495, %parallel_loop3A_496] {strides = array<i32>} : memref<128x128xf32, #tpu.memory_space<vmem>>, vector<1x16xf32>,
      %parallel_loop3A_498 = vector.shape_cast %parallel_loop3A_497 : vector<1x16xf32> to vector<16xf32>
      %parallel_loop3A_499 = arith.constant 0 : i32
      %parallel_loop3A_500 = arith.constant 0 : i32
      %parallel_loop3A_501 = tpu.memref_slice %arg7[%parallel_loop3A_130, %parallel_loop3A_499, %parallel_loop3A_500] : memref<3x128x128xf32, #tpu.memory_space<vmem>> -> memref<1x128x128xf32, #tpu.memory_space<vmem>>
      %parallel_loop3A_502 = tpu.memref_squeeze %parallel_loop3A_501 : memref<1x128x128xf32, #tpu.memory_space<vmem>> -> memref<128x128xf32, #tpu.memory_space<vmem>>
      %parallel_loop3A_503 = arith.index_cast %parallel_loop3A_360 : i32 to index
      %parallel_loop3A_504 = arith.constant 80 : index
      %parallel_loop3A_505 = tpu.vector_load %parallel_loop3A_502[%parallel_loop3A_503, %parallel_loop3A_504] {strides = array<i32>} : memref<128x128xf32, #tpu.memory_space<vmem>>, vector<1x16xf32>,
      %parallel_loop3A_506 = vector.shape_cast %parallel_loop3A_505 : vector<1x16xf32> to vector<16xf32>
      %parallel_loop3A_507 = arith.select %eq3A_20, %parallel_loop3A_498, %parallel_loop3A_506 : vector<16xi1>, vector<16xf32>
      %parallel_loop3A_508 = arith.constant 0 : i32
      %parallel_loop3A_509 = arith.constant 0 : i32
      %parallel_loop3A_510 = tpu.memref_slice %arg7[%parallel_loop3A_130, %parallel_loop3A_508, %parallel_loop3A_509] : memref<3x128x128xf32, #tpu.memory_space<vmem>> -> memref<1x128x128xf32, #tpu.memory_space<vmem>>
      %parallel_loop3A_511 = tpu.memref_squeeze %parallel_loop3A_510 : memref<1x128x128xf32, #tpu.memory_space<vmem>> -> memref<128x128xf32, #tpu.memory_space<vmem>>
      %parallel_loop3A_512 = arith.index_cast %parallel_loop3A_360 : i32 to index
      %parallel_loop3A_513 = arith.constant 80 : index
      %parallel_loop3A_514 = tpu.vector_load %parallel_loop3A_511[%parallel_loop3A_512, %parallel_loop3A_513] {strides = array<i32>} : memref<128x128xf32, #tpu.memory_space<vmem>>, vector<1x16xf32>,
      %parallel_loop3A_515 = vector.shape_cast %parallel_loop3A_514 : vector<1x16xf32> to vector<16xf32>
      %parallel_loop3A_516 = vector.shape_cast %parallel_loop3A_507 : vector<16xf32> to vector<1x16xf32>
      tpu.vector_store %parallel_loop3A_511[%parallel_loop3A_512, %parallel_loop3A_513], %parallel_loop3A_516 {strides = array<i32>} : memref<128x128xf32, #tpu.memory_space<vmem>>, vector<1x16xf32>,
      %parallel_loop3A_517 = arith.constant 0 : i32
      %parallel_loop3A_518 = arith.constant 0 : i32
      %parallel_loop3A_519 = tpu.memref_slice %arg6[%parallel_loop3A_129, %parallel_loop3A_517, %parallel_loop3A_518] : memref<3x128x128xf32, #tpu.memory_space<vmem>> -> memref<1x128x128xf32, #tpu.memory_space<vmem>>
      %parallel_loop3A_520 = tpu.memref_squeeze %parallel_loop3A_519 : memref<1x128x128xf32, #tpu.memory_space<vmem>> -> memref<128x128xf32, #tpu.memory_space<vmem>>
      %parallel_loop3A_521 = arith.index_cast %parallel_loop3A_360 : i32 to index
      %parallel_loop3A_522 = arith.constant 96 : index
      %parallel_loop3A_523 = tpu.vector_load %parallel_loop3A_520[%parallel_loop3A_521, %parallel_loop3A_522] {strides = array<i32>} : memref<128x128xf32, #tpu.memory_space<vmem>>, vector<1x16xf32>,
      %parallel_loop3A_524 = vector.shape_cast %parallel_loop3A_523 : vector<1x16xf32> to vector<16xf32>
      %parallel_loop3A_525 = arith.constant 0 : i32
      %parallel_loop3A_526 = arith.constant 0 : i32
      %parallel_loop3A_527 = tpu.memref_slice %arg7[%parallel_loop3A_130, %parallel_loop3A_525, %parallel_loop3A_526] : memref<3x128x128xf32, #tpu.memory_space<vmem>> -> memref<1x128x128xf32, #tpu.memory_space<vmem>>
      %parallel_loop3A_528 = tpu.memref_squeeze %parallel_loop3A_527 : memref<1x128x128xf32, #tpu.memory_space<vmem>> -> memref<128x128xf32, #tpu.memory_space<vmem>>
      %parallel_loop3A_529 = arith.index_cast %parallel_loop3A_360 : i32 to index
      %parallel_loop3A_530 = arith.constant 96 : index
      %parallel_loop3A_531 = tpu.vector_load %parallel_loop3A_528[%parallel_loop3A_529, %parallel_loop3A_530] {strides = array<i32>} : memref<128x128xf32, #tpu.memory_space<vmem>>, vector<1x16xf32>,
      %parallel_loop3A_532 = vector.shape_cast %parallel_loop3A_531 : vector<1x16xf32> to vector<16xf32>
      %parallel_loop3A_533 = arith.select %eq3A_20, %parallel_loop3A_524, %parallel_loop3A_532 : vector<16xi1>, vector<16xf32>
      %parallel_loop3A_534 = arith.constant 0 : i32
      %parallel_loop3A_535 = arith.constant 0 : i32
      %parallel_loop3A_536 = tpu.memref_slice %arg7[%parallel_loop3A_130, %parallel_loop3A_534, %parallel_loop3A_535] : memref<3x128x128xf32, #tpu.memory_space<vmem>> -> memref<1x128x128xf32, #tpu.memory_space<vmem>>
      %parallel_loop3A_537 = tpu.memref_squeeze %parallel_loop3A_536 : memref<1x128x128xf32, #tpu.memory_space<vmem>> -> memref<128x128xf32, #tpu.memory_space<vmem>>
      %parallel_loop3A_538 = arith.index_cast %parallel_loop3A_360 : i32 to index
      %parallel_loop3A_539 = arith.constant 96 : index
      %parallel_loop3A_540 = tpu.vector_load %parallel_loop3A_537[%parallel_loop3A_538, %parallel_loop3A_539] {strides = array<i32>} : memref<128x128xf32, #tpu.memory_space<vmem>>, vector<1x16xf32>,
      %parallel_loop3A_541 = vector.shape_cast %parallel_loop3A_540 : vector<1x16xf32> to vector<16xf32>
      %parallel_loop3A_542 = vector.shape_cast %parallel_loop3A_533 : vector<16xf32> to vector<1x16xf32>
      tpu.vector_store %parallel_loop3A_537[%parallel_loop3A_538, %parallel_loop3A_539], %parallel_loop3A_542 {strides = array<i32>} : memref<128x128xf32, #tpu.memory_space<vmem>>, vector<1x16xf32>,
      %parallel_loop3A_543 = arith.constant 0 : i32
      %parallel_loop3A_544 = arith.constant 0 : i32
      %parallel_loop3A_545 = tpu.memref_slice %arg6[%parallel_loop3A_129, %parallel_loop3A_543, %parallel_loop3A_544] : memref<3x128x128xf32, #tpu.memory_space<vmem>> -> memref<1x128x128xf32, #tpu.memory_space<vmem>>
      %parallel_loop3A_546 = tpu.memref_squeeze %parallel_loop3A_545 : memref<1x128x128xf32, #tpu.memory_space<vmem>> -> memref<128x128xf32, #tpu.memory_space<vmem>>
      %parallel_loop3A_547 = arith.index_cast %parallel_loop3A_360 : i32 to index
      %parallel_loop3A_548 = arith.constant 112 : index
      %parallel_loop3A_549 = tpu.vector_load %parallel_loop3A_546[%parallel_loop3A_547, %parallel_loop3A_548] {strides = array<i32>} : memref<128x128xf32, #tpu.memory_space<vmem>>, vector<1x16xf32>,
      %parallel_loop3A_550 = vector.shape_cast %parallel_loop3A_549 : vector<1x16xf32> to vector<16xf32>
      %parallel_loop3A_551 = arith.constant 0 : i32
      %parallel_loop3A_552 = arith.constant 0 : i32
      %parallel_loop3A_553 = tpu.memref_slice %arg7[%parallel_loop3A_130, %parallel_loop3A_551, %parallel_loop3A_552] : memref<3x128x128xf32, #tpu.memory_space<vmem>> -> memref<1x128x128xf32, #tpu.memory_space<vmem>>
      %parallel_loop3A_554 = tpu.memref_squeeze %parallel_loop3A_553 : memref<1x128x128xf32, #tpu.memory_space<vmem>> -> memref<128x128xf32, #tpu.memory_space<vmem>>
      %parallel_loop3A_555 = arith.index_cast %parallel_loop3A_360 : i32 to index
      %parallel_loop3A_556 = arith.constant 112 : index
      %parallel_loop3A_557 = tpu.vector_load %parallel_loop3A_554[%parallel_loop3A_555, %parallel_loop3A_556] {strides = array<i32>} : memref<128x128xf32, #tpu.memory_space<vmem>>, vector<1x16xf32>,
      %parallel_loop3A_558 = vector.shape_cast %parallel_loop3A_557 : vector<1x16xf32> to vector<16xf32>
      %parallel_loop3A_559 = arith.select %eq3A_20, %parallel_loop3A_550, %parallel_loop3A_558 : vector<16xi1>, vector<16xf32>
      %parallel_loop3A_560 = arith.constant 0 : i32
      %parallel_loop3A_561 = arith.constant 0 : i32
      %parallel_loop3A_562 = tpu.memref_slice %arg7[%parallel_loop3A_130, %parallel_loop3A_560, %parallel_loop3A_561] : memref<3x128x128xf32, #tpu.memory_space<vmem>> -> memref<1x128x128xf32, #tpu.memory_space<vmem>>
      %parallel_loop3A_563 = tpu.memref_squeeze %parallel_loop3A_562 : memref<1x128x128xf32, #tpu.memory_space<vmem>> -> memref<128x128xf32, #tpu.memory_space<vmem>>
      %parallel_loop3A_564 = arith.index_cast %parallel_loop3A_360 : i32 to index
      %parallel_loop3A_565 = arith.constant 112 : index
      %parallel_loop3A_566 = tpu.vector_load %parallel_loop3A_563[%parallel_loop3A_564, %parallel_loop3A_565] {strides = array<i32>} : memref<128x128xf32, #tpu.memory_space<vmem>>, vector<1x16xf32>,
      %parallel_loop3A_567 = vector.shape_cast %parallel_loop3A_566 : vector<1x16xf32> to vector<16xf32>
      %parallel_loop3A_568 = vector.shape_cast %parallel_loop3A_559 : vector<16xf32> to vector<1x16xf32>
      tpu.vector_store %parallel_loop3A_563[%parallel_loop3A_564, %parallel_loop3A_565], %parallel_loop3A_568 {strides = array<i32>} : memref<128x128xf32, #tpu.memory_space<vmem>>, vector<1x16xf32>,
    } {sc.loop_unroll_factor = 2 : i64, sc.parallel_access}
    %add3A_131 = arith.constant 0 : i32
    %add3A_132 = arith.addi %mul3A_2, %add3A_131 : i32
    %dma_start3A_133 = arith.constant 0 : i32
    %dma_start3A_134 = arith.constant 0 : i32
    %dma_start3A_135 = arith.constant 0 : i32
    %dma_start3A_136 = tpu.memref_slice %arg7[%dma_start3A_133, %dma_start3A_134, %dma_start3A_135] : memref<3x128x128xf32, #tpu.memory_space<vmem>> -> memref<1x128x128xf32, #tpu.memory_space<vmem>>
    %dma_start3A_137 = tpu.memref_squeeze %dma_start3A_136 : memref<1x128x128xf32, #tpu.memory_space<vmem>> -> memref<128x128xf32, #tpu.memory_space<vmem>>
    %dma_start3A_138 = arith.constant 0 : i32
    %dma_start3A_139 = tpu.memref_slice %arg4[%add3A_132, %dma_start3A_138] : memref<16384x128xf32, #tpu.memory_space<hbm>> -> memref<128x128xf32, #tpu.memory_space<hbm>>
    %dma_start3A_140 = arith.constant 0 : i32
    %dma_start3A_141 = tpu.memref_slice %arg4[%add3A_132, %dma_start3A_140] : memref<16384x128xf32, #tpu.memory_space<hbm>> -> memref<128x128xf32, #tpu.memory_space<hbm>>
    %dma_start3A_142 = arith.constant 0 : i32
    %dma_start3A_143 = arith.constant 0 : i32
    %dma_start3A_144 = tpu.memref_slice %arg7[%dma_start3A_133, %dma_start3A_142, %dma_start3A_143] : memref<3x128x128xf32, #tpu.memory_space<vmem>> -> memref<1x128x128xf32, #tpu.memory_space<vmem>>
    %dma_start3A_145 = tpu.memref_squeeze %dma_start3A_144 : memref<1x128x128xf32, #tpu.memory_space<vmem>> -> memref<128x128xf32, #tpu.memory_space<vmem>>
    tpu.enqueue_dma source(%dma_start3A_145 : memref<128x128xf32, #tpu.memory_space<vmem>>) target(%dma_start3A_141 : memref<128x128xf32, #tpu.memory_space<hbm>>) target_semaphore(%arg14 : memref<!tpu.dma_semaphore, #tpu.memory_space<semaphore_mem>>)
    %dma_wait3A_146 = arith.constant 0 : i32
    %dma_wait3A_147 = arith.constant 0 : i32
    %dma_wait3A_148 = arith.constant 0 : i32
    %dma_wait3A_149 = tpu.memref_slice %arg7[%dma_wait3A_146, %dma_wait3A_147, %dma_wait3A_148] : memref<3x128x128xf32, #tpu.memory_space<vmem>> -> memref<1x128x128xf32, #tpu.memory_space<vmem>>
    %dma_wait3A_150 = tpu.memref_squeeze %dma_wait3A_149 : memref<1x128x128xf32, #tpu.memory_space<vmem>> -> memref<128x128xf32, #tpu.memory_space<vmem>>
    %dma_wait3A_151 = arith.constant 0 : i32
    %dma_wait3A_152 = tpu.memref_slice %arg4[%add3A_132, %dma_wait3A_151] : memref<16384x128xf32, #tpu.memory_space<hbm>> -> memref<128x128xf32, #tpu.memory_space<hbm>>
    %dma_wait3A_153 = arith.constant 0 : i32
    %dma_wait3A_154 = tpu.memref_slice %arg4[%add3A_132, %dma_wait3A_153] : memref<16384x128xf32, #tpu.memory_space<hbm>> -> memref<128x128xf32, #tpu.memory_space<hbm>>
    %dma_wait3A_155 = arith.constant 0 : i32
    %dma_wait3A_156 = arith.constant 0 : i32
    %dma_wait3A_157 = tpu.memref_slice %arg7[%dma_wait3A_146, %dma_wait3A_155, %dma_wait3A_156] : memref<3x128x128xf32, #tpu.memory_space<vmem>> -> memref<1x128x128xf32, #tpu.memory_space<vmem>>
    %dma_wait3A_158 = tpu.memref_squeeze %dma_wait3A_157 : memref<1x128x128xf32, #tpu.memory_space<vmem>> -> memref<128x128xf32, #tpu.memory_space<vmem>>
    tpu.wait_dma2 semaphore(%arg14 : memref<!tpu.dma_semaphore, #tpu.memory_space<semaphore_mem>>) src(%dma_wait3A_158 : memref<128x128xf32, #tpu.memory_space<vmem>>) dst(%dma_wait3A_154 : memref<128x128xf32, #tpu.memory_space<hbm>>)
    %add3A_159 = arith.constant 384 : i32
    %add3A_160 = arith.addi %mul3A_2, %add3A_159 : i32
    %dma_start3A_161 = arith.constant 3 : i32
    %dma_start3A_162 = arith.constant 0 : i32
    %dma_start3A_163 = arith.constant 0 : i32
    %dma_start3A_164 = arith.constant 0 : i32
    %dma_start3A_165 = tpu.memref_slice %arg6[%dma_start3A_162, %dma_start3A_163, %dma_start3A_164] : memref<3x128x128xf32, #tpu.memory_space<vmem>> -> memref<1x128x128xf32, #tpu.memory_space<vmem>>
    %dma_start3A_166 = tpu.memref_squeeze %dma_start3A_165 : memref<1x128x128xf32, #tpu.memory_space<vmem>> -> memref<128x128xf32, #tpu.memory_space<vmem>>
    %dma_start3A_167 = arith.constant 0 : i32
    %dma_start3A_168 = tpu.memref_slice %arg5[%dma_start3A_161, %dma_start3A_167] : memref<4x128xi32, #tpu.memory_space<vmem>> -> memref<1x128xi32, #tpu.memory_space<vmem>>
    %dma_start3A_169 = tpu.memref_squeeze %dma_start3A_168 : memref<1x128xi32, #tpu.memory_space<vmem>> -> memref<128xi32, #tpu.memory_space<vmem>>
    %dma_start3A_170 = arith.constant 0 : i32
    %dma_start3A_171 = arith.constant 0 : i32
    %dma_start3A_172 = tpu.memref_slice %arg2[%dma_start3A_170, %dma_start3A_171] : memref<16384x128xf32, #tpu.memory_space<hbm>> -> memref<16384x128xf32, #tpu.memory_space<hbm>>
    tpu.enqueue_indirect_dma source(%dma_start3A_172 : memref<16384x128xf32, #tpu.memory_space<hbm>>) target(%dma_start3A_166 : memref<128x128xf32, #tpu.memory_space<vmem>>) offsets(%dma_start3A_169 : memref<128xi32, #tpu.memory_space<vmem>>) semaphore(%arg8 : memref<!tpu.dma_semaphore, #tpu.memory_space<semaphore_mem>>)
    %dma_start3A_173 = arith.constant 0 : i32
    %dma_start3A_174 = arith.constant 0 : i32
    %dma_start3A_175 = arith.constant 0 : i32
    %dma_start3A_176 = tpu.memref_slice %arg7[%dma_start3A_173, %dma_start3A_174, %dma_start3A_175] : memref<3x128x128xf32, #tpu.memory_space<vmem>> -> memref<1x128x128xf32, #tpu.memory_space<vmem>>
    %dma_start3A_177 = tpu.memref_squeeze %dma_start3A_176 : memref<1x128x128xf32, #tpu.memory_space<vmem>> -> memref<128x128xf32, #tpu.memory_space<vmem>>
    %dma_start3A_178 = arith.constant 0 : i32
    %dma_start3A_179 = tpu.memref_slice %arg2[%add3A_160, %dma_start3A_178] : memref<16384x128xf32, #tpu.memory_space<hbm>> -> memref<128x128xf32, #tpu.memory_space<hbm>>
    %dma_start3A_180 = arith.constant 0 : i32
    %dma_start3A_181 = arith.constant 0 : i32
    %dma_start3A_182 = tpu.memref_slice %arg7[%dma_start3A_173, %dma_start3A_180, %dma_start3A_181] : memref<3x128x128xf32, #tpu.memory_space<vmem>> -> memref<1x128x128xf32, #tpu.memory_space<vmem>>
    %dma_start3A_183 = tpu.memref_squeeze %dma_start3A_182 : memref<1x128x128xf32, #tpu.memory_space<vmem>> -> memref<128x128xf32, #tpu.memory_space<vmem>>
    %dma_start3A_184 = arith.constant 0 : i32
    %dma_start3A_185 = tpu.memref_slice %arg2[%add3A_160, %dma_start3A_184] : memref<16384x128xf32, #tpu.memory_space<hbm>> -> memref<128x128xf32, #tpu.memory_space<hbm>>
    tpu.enqueue_dma source(%dma_start3A_185 : memref<128x128xf32, #tpu.memory_space<hbm>>) target(%dma_start3A_183 : memref<128x128xf32, #tpu.memory_space<vmem>>) target_semaphore(%arg11 : memref<!tpu.dma_semaphore, #tpu.memory_space<semaphore_mem>>)
    %dma_wait3A_186 = arith.constant 1 : i32
    %dma_wait3A_187 = arith.constant 1 : i32
    %dma_wait3A_188 = arith.constant 0 : i32
    %dma_wait3A_189 = arith.constant 0 : i32
    %dma_wait3A_190 = tpu.memref_slice %arg6[%dma_wait3A_187, %dma_wait3A_188, %dma_wait3A_189] : memref<3x128x128xf32, #tpu.memory_space<vmem>> -> memref<1x128x128xf32, #tpu.memory_space<vmem>>
    %dma_wait3A_191 = tpu.memref_squeeze %dma_wait3A_190 : memref<1x128x128xf32, #tpu.memory_space<vmem>> -> memref<128x128xf32, #tpu.memory_space<vmem>>
    %dma_wait3A_192 = arith.constant 0 : i32
    %dma_wait3A_193 = tpu.memref_slice %arg5[%dma_wait3A_186, %dma_wait3A_192] : memref<4x128xi32, #tpu.memory_space<vmem>> -> memref<1x128xi32, #tpu.memory_space<vmem>>
    %dma_wait3A_194 = tpu.memref_squeeze %dma_wait3A_193 : memref<1x128xi32, #tpu.memory_space<vmem>> -> memref<128xi32, #tpu.memory_space<vmem>>
    %dma_wait3A_195 = arith.constant 0 : i32
    %dma_wait3A_196 = arith.constant 0 : i32
    %dma_wait3A_197 = tpu.memref_slice %arg2[%dma_wait3A_195, %dma_wait3A_196] : memref<16384x128xf32, #tpu.memory_space<hbm>> -> memref<16384x128xf32, #tpu.memory_space<hbm>>
    tpu.wait_indirect_dma semaphore(%arg9 : memref<!tpu.dma_semaphore, #tpu.memory_space<semaphore_mem>>) src(%dma_wait3A_197 : memref<16384x128xf32, #tpu.memory_space<hbm>>) dst(%dma_wait3A_191 : memref<128x128xf32, #tpu.memory_space<vmem>>)
    %dma_wait3A_198 = arith.constant 1 : i32
    %dma_wait3A_199 = arith.constant 0 : i32
    %dma_wait3A_200 = arith.constant 0 : i32
    %dma_wait3A_201 = tpu.memref_slice %arg7[%dma_wait3A_198, %dma_wait3A_199, %dma_wait3A_200] : memref<3x128x128xf32, #tpu.memory_space<vmem>> -> memref<1x128x128xf32, #tpu.memory_space<vmem>>
    %dma_wait3A_202 = tpu.memref_squeeze %dma_wait3A_201 : memref<1x128x128xf32, #tpu.memory_space<vmem>> -> memref<128x128xf32, #tpu.memory_space<vmem>>
    %dma_wait3A_203 = arith.constant 0 : i32
    %dma_wait3A_204 = tpu.memref_slice %arg2[%add3A_50, %dma_wait3A_203] : memref<16384x128xf32, #tpu.memory_space<hbm>> -> memref<128x128xf32, #tpu.memory_space<hbm>>
    %dma_wait3A_205 = arith.constant 0 : i32
    %dma_wait3A_206 = arith.constant 0 : i32
    %dma_wait3A_207 = tpu.memref_slice %arg7[%dma_wait3A_198, %dma_wait3A_205, %dma_wait3A_206] : memref<3x128x128xf32, #tpu.memory_space<vmem>> -> memref<1x128x128xf32, #tpu.memory_space<vmem>>
    %dma_wait3A_208 = tpu.memref_squeeze %dma_wait3A_207 : memref<1x128x128xf32, #tpu.memory_space<vmem>> -> memref<128x128xf32, #tpu.memory_space<vmem>>
    %dma_wait3A_209 = arith.constant 0 : i32
    %dma_wait3A_210 = tpu.memref_slice %arg2[%add3A_50, %dma_wait3A_209] : memref<16384x128xf32, #tpu.memory_space<hbm>> -> memref<128x128xf32, #tpu.memory_space<hbm>>
    tpu.wait_dma2 semaphore(%arg12 : memref<!tpu.dma_semaphore, #tpu.memory_space<semaphore_mem>>) src(%dma_wait3A_210 : memref<128x128xf32, #tpu.memory_space<hbm>>) dst(%dma_wait3A_208 : memref<128x128xf32, #tpu.memory_space<vmem>>)
    %parallel_loop3A_211 = arith.constant 0 : i32
    %parallel_loop3A_212 = arith.constant 128 : i32
    %parallel_loop3A_213 = arith.constant 1 : i32
    %parallel_loop3A_214 = arith.constant 1 : i32
    %parallel_loop3A_215 = arith.constant 1 : i32
    scf.for %parallel_loop3A_360 = %parallel_loop3A_211 to %parallel_loop3A_212 step %parallel_loop3A_213  : i32 {
      %parallel_loop3A_361 = arith.constant 0 : i32
      %parallel_loop3A_362 = arith.constant 0 : i32
      %parallel_loop3A_363 = tpu.memref_slice %arg6[%parallel_loop3A_214, %parallel_loop3A_361, %parallel_loop3A_362] : memref<3x128x128xf32, #tpu.memory_space<vmem>> -> memref<1x128x128xf32, #tpu.memory_space<vmem>>
      %parallel_loop3A_364 = tpu.memref_squeeze %parallel_loop3A_363 : memref<1x128x128xf32, #tpu.memory_space<vmem>> -> memref<128x128xf32, #tpu.memory_space<vmem>>
      %parallel_loop3A_365 = arith.index_cast %parallel_loop3A_360 : i32 to index
      %parallel_loop3A_366 = arith.constant 0 : index
      %parallel_loop3A_367 = tpu.vector_load %parallel_loop3A_364[%parallel_loop3A_365, %parallel_loop3A_366] {strides = array<i32>} : memref<128x128xf32, #tpu.memory_space<vmem>>, vector<1x16xf32>,
      %parallel_loop3A_368 = vector.shape_cast %parallel_loop3A_367 : vector<1x16xf32> to vector<16xf32>
      %parallel_loop3A_369 = arith.constant 0 : i32
      %parallel_loop3A_370 = arith.constant 0 : i32
      %parallel_loop3A_371 = tpu.memref_slice %arg7[%parallel_loop3A_215, %parallel_loop3A_369, %parallel_loop3A_370] : memref<3x128x128xf32, #tpu.memory_space<vmem>> -> memref<1x128x128xf32, #tpu.memory_space<vmem>>
      %parallel_loop3A_372 = tpu.memref_squeeze %parallel_loop3A_371 : memref<1x128x128xf32, #tpu.memory_space<vmem>> -> memref<128x128xf32, #tpu.memory_space<vmem>>
      %parallel_loop3A_373 = arith.index_cast %parallel_loop3A_360 : i32 to index
      %parallel_loop3A_374 = arith.constant 0 : index
      %parallel_loop3A_375 = tpu.vector_load %parallel_loop3A_372[%parallel_loop3A_373, %parallel_loop3A_374] {strides = array<i32>} : memref<128x128xf32, #tpu.memory_space<vmem>>, vector<1x16xf32>,
      %parallel_loop3A_376 = vector.shape_cast %parallel_loop3A_375 : vector<1x16xf32> to vector<16xf32>
      %parallel_loop3A_377 = arith.select %eq3A_20, %parallel_loop3A_368, %parallel_loop3A_376 : vector<16xi1>, vector<16xf32>
      %parallel_loop3A_378 = arith.constant 0 : i32
      %parallel_loop3A_379 = arith.constant 0 : i32
      %parallel_loop3A_380 = tpu.memref_slice %arg7[%parallel_loop3A_215, %parallel_loop3A_378, %parallel_loop3A_379] : memref<3x128x128xf32, #tpu.memory_space<vmem>> -> memref<1x128x128xf32, #tpu.memory_space<vmem>>
      %parallel_loop3A_381 = tpu.memref_squeeze %parallel_loop3A_380 : memref<1x128x128xf32, #tpu.memory_space<vmem>> -> memref<128x128xf32, #tpu.memory_space<vmem>>
      %parallel_loop3A_382 = arith.index_cast %parallel_loop3A_360 : i32 to index
      %parallel_loop3A_383 = arith.constant 0 : index
      %parallel_loop3A_384 = tpu.vector_load %parallel_loop3A_381[%parallel_loop3A_382, %parallel_loop3A_383] {strides = array<i32>} : memref<128x128xf32, #tpu.memory_space<vmem>>, vector<1x16xf32>,
      %parallel_loop3A_385 = vector.shape_cast %parallel_loop3A_384 : vector<1x16xf32> to vector<16xf32>
      %parallel_loop3A_386 = vector.shape_cast %parallel_loop3A_377 : vector<16xf32> to vector<1x16xf32>
      tpu.vector_store %parallel_loop3A_381[%parallel_loop3A_382, %parallel_loop3A_383], %parallel_loop3A_386 {strides = array<i32>} : memref<128x128xf32, #tpu.memory_space<vmem>>, vector<1x16xf32>,
      %parallel_loop3A_387 = arith.constant 0 : i32
      %parallel_loop3A_388 = arith.constant 0 : i32
      %parallel_loop3A_389 = tpu.memref_slice %arg6[%parallel_loop3A_214, %parallel_loop3A_387, %parallel_loop3A_388] : memref<3x128x128xf32, #tpu.memory_space<vmem>> -> memref<1x128x128xf32, #tpu.memory_space<vmem>>
      %parallel_loop3A_390 = tpu.memref_squeeze %parallel_loop3A_389 : memref<1x128x128xf32, #tpu.memory_space<vmem>> -> memref<128x128xf32, #tpu.memory_space<vmem>>
      %parallel_loop3A_391 = arith.index_cast %parallel_loop3A_360 : i32 to index
      %parallel_loop3A_392 = arith.constant 16 : index
      %parallel_loop3A_393 = tpu.vector_load %parallel_loop3A_390[%parallel_loop3A_391, %parallel_loop3A_392] {strides = array<i32>} : memref<128x128xf32, #tpu.memory_space<vmem>>, vector<1x16xf32>,
      %parallel_loop3A_394 = vector.shape_cast %parallel_loop3A_393 : vector<1x16xf32> to vector<16xf32>
      %parallel_loop3A_395 = arith.constant 0 : i32
      %parallel_loop3A_396 = arith.constant 0 : i32
      %parallel_loop3A_397 = tpu.memref_slice %arg7[%parallel_loop3A_215, %parallel_loop3A_395, %parallel_loop3A_396] : memref<3x128x128xf32, #tpu.memory_space<vmem>> -> memref<1x128x128xf32, #tpu.memory_space<vmem>>
      %parallel_loop3A_398 = tpu.memref_squeeze %parallel_loop3A_397 : memref<1x128x128xf32, #tpu.memory_space<vmem>> -> memref<128x128xf32, #tpu.memory_space<vmem>>
      %parallel_loop3A_399 = arith.index_cast %parallel_loop3A_360 : i32 to index
      %parallel_loop3A_400 = arith.constant 16 : index
      %parallel_loop3A_401 = tpu.vector_load %parallel_loop3A_398[%parallel_loop3A_399, %parallel_loop3A_400] {strides = array<i32>} : memref<128x128xf32, #tpu.memory_space<vmem>>, vector<1x16xf32>,
      %parallel_loop3A_402 = vector.shape_cast %parallel_loop3A_401 : vector<1x16xf32> to vector<16xf32>
      %parallel_loop3A_403 = arith.select %eq3A_20, %parallel_loop3A_394, %parallel_loop3A_402 : vector<16xi1>, vector<16xf32>
      %parallel_loop3A_404 = arith.constant 0 : i32
      %parallel_loop3A_405 = arith.constant 0 : i32
      %parallel_loop3A_406 = tpu.memref_slice %arg7[%parallel_loop3A_215, %parallel_loop3A_404, %parallel_loop3A_405] : memref<3x128x128xf32, #tpu.memory_space<vmem>> -> memref<1x128x128xf32, #tpu.memory_space<vmem>>
      %parallel_loop3A_407 = tpu.memref_squeeze %parallel_loop3A_406 : memref<1x128x128xf32, #tpu.memory_space<vmem>> -> memref<128x128xf32, #tpu.memory_space<vmem>>
      %parallel_loop3A_408 = arith.index_cast %parallel_loop3A_360 : i32 to index
      %parallel_loop3A_409 = arith.constant 16 : index
      %parallel_loop3A_410 = tpu.vector_load %parallel_loop3A_407[%parallel_loop3A_408, %parallel_loop3A_409] {strides = array<i32>} : memref<128x128xf32, #tpu.memory_space<vmem>>, vector<1x16xf32>,
      %parallel_loop3A_411 = vector.shape_cast %parallel_loop3A_410 : vector<1x16xf32> to vector<16xf32>
      %parallel_loop3A_412 = vector.shape_cast %parallel_loop3A_403 : vector<16xf32> to vector<1x16xf32>
      tpu.vector_store %parallel_loop3A_407[%parallel_loop3A_408, %parallel_loop3A_409], %parallel_loop3A_412 {strides = array<i32>} : memref<128x128xf32, #tpu.memory_space<vmem>>, vector<1x16xf32>,
      %parallel_loop3A_413 = arith.constant 0 : i32
      %parallel_loop3A_414 = arith.constant 0 : i32
      %parallel_loop3A_415 = tpu.memref_slice %arg6[%parallel_loop3A_214, %parallel_loop3A_413, %parallel_loop3A_414] : memref<3x128x128xf32, #tpu.memory_space<vmem>> -> memref<1x128x128xf32, #tpu.memory_space<vmem>>
      %parallel_loop3A_416 = tpu.memref_squeeze %parallel_loop3A_415 : memref<1x128x128xf32, #tpu.memory_space<vmem>> -> memref<128x128xf32, #tpu.memory_space<vmem>>
      %parallel_loop3A_417 = arith.index_cast %parallel_loop3A_360 : i32 to index
      %parallel_loop3A_418 = arith.constant 32 : index
      %parallel_loop3A_419 = tpu.vector_load %parallel_loop3A_416[%parallel_loop3A_417, %parallel_loop3A_418] {strides = array<i32>} : memref<128x128xf32, #tpu.memory_space<vmem>>, vector<1x16xf32>,
      %parallel_loop3A_420 = vector.shape_cast %parallel_loop3A_419 : vector<1x16xf32> to vector<16xf32>
      %parallel_loop3A_421 = arith.constant 0 : i32
      %parallel_loop3A_422 = arith.constant 0 : i32
      %parallel_loop3A_423 = tpu.memref_slice %arg7[%parallel_loop3A_215, %parallel_loop3A_421, %parallel_loop3A_422] : memref<3x128x128xf32, #tpu.memory_space<vmem>> -> memref<1x128x128xf32, #tpu.memory_space<vmem>>
      %parallel_loop3A_424 = tpu.memref_squeeze %parallel_loop3A_423 : memref<1x128x128xf32, #tpu.memory_space<vmem>> -> memref<128x128xf32, #tpu.memory_space<vmem>>
      %parallel_loop3A_425 = arith.index_cast %parallel_loop3A_360 : i32 to index
      %parallel_loop3A_426 = arith.constant 32 : index
      %parallel_loop3A_427 = tpu.vector_load %parallel_loop3A_424[%parallel_loop3A_425, %parallel_loop3A_426] {strides = array<i32>} : memref<128x128xf32, #tpu.memory_space<vmem>>, vector<1x16xf32>,
      %parallel_loop3A_428 = vector.shape_cast %parallel_loop3A_427 : vector<1x16xf32> to vector<16xf32>
      %parallel_loop3A_429 = arith.select %eq3A_20, %parallel_loop3A_420, %parallel_loop3A_428 : vector<16xi1>, vector<16xf32>
      %parallel_loop3A_430 = arith.constant 0 : i32
      %parallel_loop3A_431 = arith.constant 0 : i32
      %parallel_loop3A_432 = tpu.memref_slice %arg7[%parallel_loop3A_215, %parallel_loop3A_430, %parallel_loop3A_431] : memref<3x128x128xf32, #tpu.memory_space<vmem>> -> memref<1x128x128xf32, #tpu.memory_space<vmem>>
      %parallel_loop3A_433 = tpu.memref_squeeze %parallel_loop3A_432 : memref<1x128x128xf32, #tpu.memory_space<vmem>> -> memref<128x128xf32, #tpu.memory_space<vmem>>
      %parallel_loop3A_434 = arith.index_cast %parallel_loop3A_360 : i32 to index
      %parallel_loop3A_435 = arith.constant 32 : index
      %parallel_loop3A_436 = tpu.vector_load %parallel_loop3A_433[%parallel_loop3A_434, %parallel_loop3A_435] {strides = array<i32>} : memref<128x128xf32, #tpu.memory_space<vmem>>, vector<1x16xf32>,
      %parallel_loop3A_437 = vector.shape_cast %parallel_loop3A_436 : vector<1x16xf32> to vector<16xf32>
      %parallel_loop3A_438 = vector.shape_cast %parallel_loop3A_429 : vector<16xf32> to vector<1x16xf32>
      tpu.vector_store %parallel_loop3A_433[%parallel_loop3A_434, %parallel_loop3A_435], %parallel_loop3A_438 {strides = array<i32>} : memref<128x128xf32, #tpu.memory_space<vmem>>, vector<1x16xf32>,
      %parallel_loop3A_439 = arith.constant 0 : i32
      %parallel_loop3A_440 = arith.constant 0 : i32
      %parallel_loop3A_441 = tpu.memref_slice %arg6[%parallel_loop3A_214, %parallel_loop3A_439, %parallel_loop3A_440] : memref<3x128x128xf32, #tpu.memory_space<vmem>> -> memref<1x128x128xf32, #tpu.memory_space<vmem>>
      %parallel_loop3A_442 = tpu.memref_squeeze %parallel_loop3A_441 : memref<1x128x128xf32, #tpu.memory_space<vmem>> -> memref<128x128xf32, #tpu.memory_space<vmem>>
      %parallel_loop3A_443 = arith.index_cast %parallel_loop3A_360 : i32 to index
      %parallel_loop3A_444 = arith.constant 48 : index
      %parallel_loop3A_445 = tpu.vector_load %parallel_loop3A_442[%parallel_loop3A_443, %parallel_loop3A_444] {strides = array<i32>} : memref<128x128xf32, #tpu.memory_space<vmem>>, vector<1x16xf32>,
      %parallel_loop3A_446 = vector.shape_cast %parallel_loop3A_445 : vector<1x16xf32> to vector<16xf32>
      %parallel_loop3A_447 = arith.constant 0 : i32
      %parallel_loop3A_448 = arith.constant 0 : i32
      %parallel_loop3A_449 = tpu.memref_slice %arg7[%parallel_loop3A_215, %parallel_loop3A_447, %parallel_loop3A_448] : memref<3x128x128xf32, #tpu.memory_space<vmem>> -> memref<1x128x128xf32, #tpu.memory_space<vmem>>
      %parallel_loop3A_450 = tpu.memref_squeeze %parallel_loop3A_449 : memref<1x128x128xf32, #tpu.memory_space<vmem>> -> memref<128x128xf32, #tpu.memory_space<vmem>>
      %parallel_loop3A_451 = arith.index_cast %parallel_loop3A_360 : i32 to index
      %parallel_loop3A_452 = arith.constant 48 : index
      %parallel_loop3A_453 = tpu.vector_load %parallel_loop3A_450[%parallel_loop3A_451, %parallel_loop3A_452] {strides = array<i32>} : memref<128x128xf32, #tpu.memory_space<vmem>>, vector<1x16xf32>,
      %parallel_loop3A_454 = vector.shape_cast %parallel_loop3A_453 : vector<1x16xf32> to vector<16xf32>
      %parallel_loop3A_455 = arith.select %eq3A_20, %parallel_loop3A_446, %parallel_loop3A_454 : vector<16xi1>, vector<16xf32>
      %parallel_loop3A_456 = arith.constant 0 : i32
      %parallel_loop3A_457 = arith.constant 0 : i32
      %parallel_loop3A_458 = tpu.memref_slice %arg7[%parallel_loop3A_215, %parallel_loop3A_456, %parallel_loop3A_457] : memref<3x128x128xf32, #tpu.memory_space<vmem>> -> memref<1x128x128xf32, #tpu.memory_space<vmem>>
      %parallel_loop3A_459 = tpu.memref_squeeze %parallel_loop3A_458 : memref<1x128x128xf32, #tpu.memory_space<vmem>> -> memref<128x128xf32, #tpu.memory_space<vmem>>
      %parallel_loop3A_460 = arith.index_cast %parallel_loop3A_360 : i32 to index
      %parallel_loop3A_461 = arith.constant 48 : index
      %parallel_loop3A_462 = tpu.vector_load %parallel_loop3A_459[%parallel_loop3A_460, %parallel_loop3A_461] {strides = array<i32>} : memref<128x128xf32, #tpu.memory_space<vmem>>, vector<1x16xf32>,
      %parallel_loop3A_463 = vector.shape_cast %parallel_loop3A_462 : vector<1x16xf32> to vector<16xf32>
      %parallel_loop3A_464 = vector.shape_cast %parallel_loop3A_455 : vector<16xf32> to vector<1x16xf32>
      tpu.vector_store %parallel_loop3A_459[%parallel_loop3A_460, %parallel_loop3A_461], %parallel_loop3A_464 {strides = array<i32>} : memref<128x128xf32, #tpu.memory_space<vmem>>, vector<1x16xf32>,
      %parallel_loop3A_465 = arith.constant 0 : i32
      %parallel_loop3A_466 = arith.constant 0 : i32
      %parallel_loop3A_467 = tpu.memref_slice %arg6[%parallel_loop3A_214, %parallel_loop3A_465, %parallel_loop3A_466] : memref<3x128x128xf32, #tpu.memory_space<vmem>> -> memref<1x128x128xf32, #tpu.memory_space<vmem>>
      %parallel_loop3A_468 = tpu.memref_squeeze %parallel_loop3A_467 : memref<1x128x128xf32, #tpu.memory_space<vmem>> -> memref<128x128xf32, #tpu.memory_space<vmem>>
      %parallel_loop3A_469 = arith.index_cast %parallel_loop3A_360 : i32 to index
      %parallel_loop3A_470 = arith.constant 64 : index
      %parallel_loop3A_471 = tpu.vector_load %parallel_loop3A_468[%parallel_loop3A_469, %parallel_loop3A_470] {strides = array<i32>} : memref<128x128xf32, #tpu.memory_space<vmem>>, vector<1x16xf32>,
      %parallel_loop3A_472 = vector.shape_cast %parallel_loop3A_471 : vector<1x16xf32> to vector<16xf32>
      %parallel_loop3A_473 = arith.constant 0 : i32
      %parallel_loop3A_474 = arith.constant 0 : i32
      %parallel_loop3A_475 = tpu.memref_slice %arg7[%parallel_loop3A_215, %parallel_loop3A_473, %parallel_loop3A_474] : memref<3x128x128xf32, #tpu.memory_space<vmem>> -> memref<1x128x128xf32, #tpu.memory_space<vmem>>
      %parallel_loop3A_476 = tpu.memref_squeeze %parallel_loop3A_475 : memref<1x128x128xf32, #tpu.memory_space<vmem>> -> memref<128x128xf32, #tpu.memory_space<vmem>>
      %parallel_loop3A_477 = arith.index_cast %parallel_loop3A_360 : i32 to index
      %parallel_loop3A_478 = arith.constant 64 : index
      %parallel_loop3A_479 = tpu.vector_load %parallel_loop3A_476[%parallel_loop3A_477, %parallel_loop3A_478] {strides = array<i32>} : memref<128x128xf32, #tpu.memory_space<vmem>>, vector<1x16xf32>,
      %parallel_loop3A_480 = vector.shape_cast %parallel_loop3A_479 : vector<1x16xf32> to vector<16xf32>
      %parallel_loop3A_481 = arith.select %eq3A_20, %parallel_loop3A_472, %parallel_loop3A_480 : vector<16xi1>, vector<16xf32>
      %parallel_loop3A_482 = arith.constant 0 : i32
      %parallel_loop3A_483 = arith.constant 0 : i32
      %parallel_loop3A_484 = tpu.memref_slice %arg7[%parallel_loop3A_215, %parallel_loop3A_482, %parallel_loop3A_483] : memref<3x128x128xf32, #tpu.memory_space<vmem>> -> memref<1x128x128xf32, #tpu.memory_space<vmem>>
      %parallel_loop3A_485 = tpu.memref_squeeze %parallel_loop3A_484 : memref<1x128x128xf32, #tpu.memory_space<vmem>> -> memref<128x128xf32, #tpu.memory_space<vmem>>
      %parallel_loop3A_486 = arith.index_cast %parallel_loop3A_360 : i32 to index
      %parallel_loop3A_487 = arith.constant 64 : index
      %parallel_loop3A_488 = tpu.vector_load %parallel_loop3A_485[%parallel_loop3A_486, %parallel_loop3A_487] {strides = array<i32>} : memref<128x128xf32, #tpu.memory_space<vmem>>, vector<1x16xf32>,
      %parallel_loop3A_489 = vector.shape_cast %parallel_loop3A_488 : vector<1x16xf32> to vector<16xf32>
      %parallel_loop3A_490 = vector.shape_cast %parallel_loop3A_481 : vector<16xf32> to vector<1x16xf32>
      tpu.vector_store %parallel_loop3A_485[%parallel_loop3A_486, %parallel_loop3A_487], %parallel_loop3A_490 {strides = array<i32>} : memref<128x128xf32, #tpu.memory_space<vmem>>, vector<1x16xf32>,
      %parallel_loop3A_491 = arith.constant 0 : i32
      %parallel_loop3A_492 = arith.constant 0 : i32
      %parallel_loop3A_493 = tpu.memref_slice %arg6[%parallel_loop3A_214, %parallel_loop3A_491, %parallel_loop3A_492] : memref<3x128x128xf32, #tpu.memory_space<vmem>> -> memref<1x128x128xf32, #tpu.memory_space<vmem>>
      %parallel_loop3A_494 = tpu.memref_squeeze %parallel_loop3A_493 : memref<1x128x128xf32, #tpu.memory_space<vmem>> -> memref<128x128xf32, #tpu.memory_space<vmem>>
      %parallel_loop3A_495 = arith.index_cast %parallel_loop3A_360 : i32 to index
      %parallel_loop3A_496 = arith.constant 80 : index
      %parallel_loop3A_497 = tpu.vector_load %parallel_loop3A_494[%parallel_loop3A_495, %parallel_loop3A_496] {strides = array<i32>} : memref<128x128xf32, #tpu.memory_space<vmem>>, vector<1x16xf32>,
      %parallel_loop3A_498 = vector.shape_cast %parallel_loop3A_497 : vector<1x16xf32> to vector<16xf32>
      %parallel_loop3A_499 = arith.constant 0 : i32
      %parallel_loop3A_500 = arith.constant 0 : i32
      %parallel_loop3A_501 = tpu.memref_slice %arg7[%parallel_loop3A_215, %parallel_loop3A_499, %parallel_loop3A_500] : memref<3x128x128xf32, #tpu.memory_space<vmem>> -> memref<1x128x128xf32, #tpu.memory_space<vmem>>
      %parallel_loop3A_502 = tpu.memref_squeeze %parallel_loop3A_501 : memref<1x128x128xf32, #tpu.memory_space<vmem>> -> memref<128x128xf32, #tpu.memory_space<vmem>>
      %parallel_loop3A_503 = arith.index_cast %parallel_loop3A_360 : i32 to index
      %parallel_loop3A_504 = arith.constant 80 : index
      %parallel_loop3A_505 = tpu.vector_load %parallel_loop3A_502[%parallel_loop3A_503, %parallel_loop3A_504] {strides = array<i32>} : memref<128x128xf32, #tpu.memory_space<vmem>>, vector<1x16xf32>,
      %parallel_loop3A_506 = vector.shape_cast %parallel_loop3A_505 : vector<1x16xf32> to vector<16xf32>
      %parallel_loop3A_507 = arith.select %eq3A_20, %parallel_loop3A_498, %parallel_loop3A_506 : vector<16xi1>, vector<16xf32>
      %parallel_loop3A_508 = arith.constant 0 : i32
      %parallel_loop3A_509 = arith.constant 0 : i32
      %parallel_loop3A_510 = tpu.memref_slice %arg7[%parallel_loop3A_215, %parallel_loop3A_508, %parallel_loop3A_509] : memref<3x128x128xf32, #tpu.memory_space<vmem>> -> memref<1x128x128xf32, #tpu.memory_space<vmem>>
      %parallel_loop3A_511 = tpu.memref_squeeze %parallel_loop3A_510 : memref<1x128x128xf32, #tpu.memory_space<vmem>> -> memref<128x128xf32, #tpu.memory_space<vmem>>
      %parallel_loop3A_512 = arith.index_cast %parallel_loop3A_360 : i32 to index
      %parallel_loop3A_513 = arith.constant 80 : index
      %parallel_loop3A_514 = tpu.vector_load %parallel_loop3A_511[%parallel_loop3A_512, %parallel_loop3A_513] {strides = array<i32>} : memref<128x128xf32, #tpu.memory_space<vmem>>, vector<1x16xf32>,
      %parallel_loop3A_515 = vector.shape_cast %parallel_loop3A_514 : vector<1x16xf32> to vector<16xf32>
      %parallel_loop3A_516 = vector.shape_cast %parallel_loop3A_507 : vector<16xf32> to vector<1x16xf32>
      tpu.vector_store %parallel_loop3A_511[%parallel_loop3A_512, %parallel_loop3A_513], %parallel_loop3A_516 {strides = array<i32>} : memref<128x128xf32, #tpu.memory_space<vmem>>, vector<1x16xf32>,
      %parallel_loop3A_517 = arith.constant 0 : i32
      %parallel_loop3A_518 = arith.constant 0 : i32
      %parallel_loop3A_519 = tpu.memref_slice %arg6[%parallel_loop3A_214, %parallel_loop3A_517, %parallel_loop3A_518] : memref<3x128x128xf32, #tpu.memory_space<vmem>> -> memref<1x128x128xf32, #tpu.memory_space<vmem>>
      %parallel_loop3A_520 = tpu.memref_squeeze %parallel_loop3A_519 : memref<1x128x128xf32, #tpu.memory_space<vmem>> -> memref<128x128xf32, #tpu.memory_space<vmem>>
      %parallel_loop3A_521 = arith.index_cast %parallel_loop3A_360 : i32 to index
      %parallel_loop3A_522 = arith.constant 96 : index
      %parallel_loop3A_523 = tpu.vector_load %parallel_loop3A_520[%parallel_loop3A_521, %parallel_loop3A_522] {strides = array<i32>} : memref<128x128xf32, #tpu.memory_space<vmem>>, vector<1x16xf32>,
      %parallel_loop3A_524 = vector.shape_cast %parallel_loop3A_523 : vector<1x16xf32> to vector<16xf32>
      %parallel_loop3A_525 = arith.constant 0 : i32
      %parallel_loop3A_526 = arith.constant 0 : i32
      %parallel_loop3A_527 = tpu.memref_slice %arg7[%parallel_loop3A_215, %parallel_loop3A_525, %parallel_loop3A_526] : memref<3x128x128xf32, #tpu.memory_space<vmem>> -> memref<1x128x128xf32, #tpu.memory_space<vmem>>
      %parallel_loop3A_528 = tpu.memref_squeeze %parallel_loop3A_527 : memref<1x128x128xf32, #tpu.memory_space<vmem>> -> memref<128x128xf32, #tpu.memory_space<vmem>>
      %parallel_loop3A_529 = arith.index_cast %parallel_loop3A_360 : i32 to index
      %parallel_loop3A_530 = arith.constant 96 : index
      %parallel_loop3A_531 = tpu.vector_load %parallel_loop3A_528[%parallel_loop3A_529, %parallel_loop3A_530] {strides = array<i32>} : memref<128x128xf32, #tpu.memory_space<vmem>>, vector<1x16xf32>,
      %parallel_loop3A_532 = vector.shape_cast %parallel_loop3A_531 : vector<1x16xf32> to vector<16xf32>
      %parallel_loop3A_533 = arith.select %eq3A_20, %parallel_loop3A_524, %parallel_loop3A_532 : vector<16xi1>, vector<16xf32>
      %parallel_loop3A_534 = arith.constant 0 : i32
      %parallel_loop3A_535 = arith.constant 0 : i32
      %parallel_loop3A_536 = tpu.memref_slice %arg7[%parallel_loop3A_215, %parallel_loop3A_534, %parallel_loop3A_535] : memref<3x128x128xf32, #tpu.memory_space<vmem>> -> memref<1x128x128xf32, #tpu.memory_space<vmem>>
      %parallel_loop3A_537 = tpu.memref_squeeze %parallel_loop3A_536 : memref<1x128x128xf32, #tpu.memory_space<vmem>> -> memref<128x128xf32, #tpu.memory_space<vmem>>
      %parallel_loop3A_538 = arith.index_cast %parallel_loop3A_360 : i32 to index
      %parallel_loop3A_539 = arith.constant 96 : index
      %parallel_loop3A_540 = tpu.vector_load %parallel_loop3A_537[%parallel_loop3A_538, %parallel_loop3A_539] {strides = array<i32>} : memref<128x128xf32, #tpu.memory_space<vmem>>, vector<1x16xf32>,
      %parallel_loop3A_541 = vector.shape_cast %parallel_loop3A_540 : vector<1x16xf32> to vector<16xf32>
      %parallel_loop3A_542 = vector.shape_cast %parallel_loop3A_533 : vector<16xf32> to vector<1x16xf32>
      tpu.vector_store %parallel_loop3A_537[%parallel_loop3A_538, %parallel_loop3A_539], %parallel_loop3A_542 {strides = array<i32>} : memref<128x128xf32, #tpu.memory_space<vmem>>, vector<1x16xf32>,
      %parallel_loop3A_543 = arith.constant 0 : i32
      %parallel_loop3A_544 = arith.constant 0 : i32
      %parallel_loop3A_545 = tpu.memref_slice %arg6[%parallel_loop3A_214, %parallel_loop3A_543, %parallel_loop3A_544] : memref<3x128x128xf32, #tpu.memory_space<vmem>> -> memref<1x128x128xf32, #tpu.memory_space<vmem>>
      %parallel_loop3A_546 = tpu.memref_squeeze %parallel_loop3A_545 : memref<1x128x128xf32, #tpu.memory_space<vmem>> -> memref<128x128xf32, #tpu.memory_space<vmem>>
      %parallel_loop3A_547 = arith.index_cast %parallel_loop3A_360 : i32 to index
      %parallel_loop3A_548 = arith.constant 112 : index
      %parallel_loop3A_549 = tpu.vector_load %parallel_loop3A_546[%parallel_loop3A_547, %parallel_loop3A_548] {strides = array<i32>} : memref<128x128xf32, #tpu.memory_space<vmem>>, vector<1x16xf32>,
      %parallel_loop3A_550 = vector.shape_cast %parallel_loop3A_549 : vector<1x16xf32> to vector<16xf32>
      %parallel_loop3A_551 = arith.constant 0 : i32
      %parallel_loop3A_552 = arith.constant 0 : i32
      %parallel_loop3A_553 = tpu.memref_slice %arg7[%parallel_loop3A_215, %parallel_loop3A_551, %parallel_loop3A_552] : memref<3x128x128xf32, #tpu.memory_space<vmem>> -> memref<1x128x128xf32, #tpu.memory_space<vmem>>
      %parallel_loop3A_554 = tpu.memref_squeeze %parallel_loop3A_553 : memref<1x128x128xf32, #tpu.memory_space<vmem>> -> memref<128x128xf32, #tpu.memory_space<vmem>>
      %parallel_loop3A_555 = arith.index_cast %parallel_loop3A_360 : i32 to index
      %parallel_loop3A_556 = arith.constant 112 : index
      %parallel_loop3A_557 = tpu.vector_load %parallel_loop3A_554[%parallel_loop3A_555, %parallel_loop3A_556] {strides = array<i32>} : memref<128x128xf32, #tpu.memory_space<vmem>>, vector<1x16xf32>,
      %parallel_loop3A_558 = vector.shape_cast %parallel_loop3A_557 : vector<1x16xf32> to vector<16xf32>
      %parallel_loop3A_559 = arith.select %eq3A_20, %parallel_loop3A_550, %parallel_loop3A_558 : vector<16xi1>, vector<16xf32>
      %parallel_loop3A_560 = arith.constant 0 : i32
      %parallel_loop3A_561 = arith.constant 0 : i32
      %parallel_loop3A_562 = tpu.memref_slice %arg7[%parallel_loop3A_215, %parallel_loop3A_560, %parallel_loop3A_561] : memref<3x128x128xf32, #tpu.memory_space<vmem>> -> memref<1x128x128xf32, #tpu.memory_space<vmem>>
      %parallel_loop3A_563 = tpu.memref_squeeze %parallel_loop3A_562 : memref<1x128x128xf32, #tpu.memory_space<vmem>> -> memref<128x128xf32, #tpu.memory_space<vmem>>
      %parallel_loop3A_564 = arith.index_cast %parallel_loop3A_360 : i32 to index
      %parallel_loop3A_565 = arith.constant 112 : index
      %parallel_loop3A_566 = tpu.vector_load %parallel_loop3A_563[%parallel_loop3A_564, %parallel_loop3A_565] {strides = array<i32>} : memref<128x128xf32, #tpu.memory_space<vmem>>, vector<1x16xf32>,
      %parallel_loop3A_567 = vector.shape_cast %parallel_loop3A_566 : vector<1x16xf32> to vector<16xf32>
      %parallel_loop3A_568 = vector.shape_cast %parallel_loop3A_559 : vector<16xf32> to vector<1x16xf32>
      tpu.vector_store %parallel_loop3A_563[%parallel_loop3A_564, %parallel_loop3A_565], %parallel_loop3A_568 {strides = array<i32>} : memref<128x128xf32, #tpu.memory_space<vmem>>, vector<1x16xf32>,
    } {sc.loop_unroll_factor = 2 : i64, sc.parallel_access}
    %add3A_216 = arith.constant 128 : i32
    %add3A_217 = arith.addi %mul3A_2, %add3A_216 : i32
    %dma_start3A_218 = arith.constant 1 : i32
    %dma_start3A_219 = arith.constant 0 : i32
    %dma_start3A_220 = arith.constant 0 : i32
    %dma_start3A_221 = tpu.memref_slice %arg7[%dma_start3A_218, %dma_start3A_219, %dma_start3A_220] : memref<3x128x128xf32, #tpu.memory_space<vmem>> -> memref<1x128x128xf32, #tpu.memory_space<vmem>>
    %dma_start3A_222 = tpu.memref_squeeze %dma_start3A_221 : memref<1x128x128xf32, #tpu.memory_space<vmem>> -> memref<128x128xf32, #tpu.memory_space<vmem>>
    %dma_start3A_223 = arith.constant 0 : i32
    %dma_start3A_224 = tpu.memref_slice %arg4[%add3A_217, %dma_start3A_223] : memref<16384x128xf32, #tpu.memory_space<hbm>> -> memref<128x128xf32, #tpu.memory_space<hbm>>
    %dma_start3A_225 = arith.constant 0 : i32
    %dma_start3A_226 = tpu.memref_slice %arg4[%add3A_217, %dma_start3A_225] : memref<16384x128xf32, #tpu.memory_space<hbm>> -> memref<128x128xf32, #tpu.memory_space<hbm>>
    %dma_start3A_227 = arith.constant 0 : i32
    %dma_start3A_228 = arith.constant 0 : i32
    %dma_start3A_229 = tpu.memref_slice %arg7[%dma_start3A_218, %dma_start3A_227, %dma_start3A_228] : memref<3x128x128xf32, #tpu.memory_space<vmem>> -> memref<1x128x128xf32, #tpu.memory_space<vmem>>
    %dma_start3A_230 = tpu.memref_squeeze %dma_start3A_229 : memref<1x128x128xf32, #tpu.memory_space<vmem>> -> memref<128x128xf32, #tpu.memory_space<vmem>>
    tpu.enqueue_dma source(%dma_start3A_230 : memref<128x128xf32, #tpu.memory_space<vmem>>) target(%dma_start3A_226 : memref<128x128xf32, #tpu.memory_space<hbm>>) target_semaphore(%arg15 : memref<!tpu.dma_semaphore, #tpu.memory_space<semaphore_mem>>)
    %dma_wait3A_231 = arith.constant 2 : i32
    %dma_wait3A_232 = arith.constant 2 : i32
    %dma_wait3A_233 = arith.constant 0 : i32
    %dma_wait3A_234 = arith.constant 0 : i32
    %dma_wait3A_235 = tpu.memref_slice %arg6[%dma_wait3A_232, %dma_wait3A_233, %dma_wait3A_234] : memref<3x128x128xf32, #tpu.memory_space<vmem>> -> memref<1x128x128xf32, #tpu.memory_space<vmem>>
    %dma_wait3A_236 = tpu.memref_squeeze %dma_wait3A_235 : memref<1x128x128xf32, #tpu.memory_space<vmem>> -> memref<128x128xf32, #tpu.memory_space<vmem>>
    %dma_wait3A_237 = arith.constant 0 : i32
    %dma_wait3A_238 = tpu.memref_slice %arg5[%dma_wait3A_231, %dma_wait3A_237] : memref<4x128xi32, #tpu.memory_space<vmem>> -> memref<1x128xi32, #tpu.memory_space<vmem>>
    %dma_wait3A_239 = tpu.memref_squeeze %dma_wait3A_238 : memref<1x128xi32, #tpu.memory_space<vmem>> -> memref<128xi32, #tpu.memory_space<vmem>>
    %dma_wait3A_240 = arith.constant 0 : i32
    %dma_wait3A_241 = arith.constant 0 : i32
    %dma_wait3A_242 = tpu.memref_slice %arg2[%dma_wait3A_240, %dma_wait3A_241] : memref<16384x128xf32, #tpu.memory_space<hbm>> -> memref<16384x128xf32, #tpu.memory_space<hbm>>
    tpu.wait_indirect_dma semaphore(%arg10 : memref<!tpu.dma_semaphore, #tpu.memory_space<semaphore_mem>>) src(%dma_wait3A_242 : memref<16384x128xf32, #tpu.memory_space<hbm>>) dst(%dma_wait3A_236 : memref<128x128xf32, #tpu.memory_space<vmem>>)
    %dma_wait3A_243 = arith.constant 2 : i32
    %dma_wait3A_244 = arith.constant 0 : i32
    %dma_wait3A_245 = arith.constant 0 : i32
    %dma_wait3A_246 = tpu.memref_slice %arg7[%dma_wait3A_243, %dma_wait3A_244, %dma_wait3A_245] : memref<3x128x128xf32, #tpu.memory_space<vmem>> -> memref<1x128x128xf32, #tpu.memory_space<vmem>>
    %dma_wait3A_247 = tpu.memref_squeeze %dma_wait3A_246 : memref<1x128x128xf32, #tpu.memory_space<vmem>> -> memref<128x128xf32, #tpu.memory_space<vmem>>
    %dma_wait3A_248 = arith.constant 0 : i32
    %dma_wait3A_249 = tpu.memref_slice %arg2[%add3A_77, %dma_wait3A_248] : memref<16384x128xf32, #tpu.memory_space<hbm>> -> memref<128x128xf32, #tpu.memory_space<hbm>>
    %dma_wait3A_250 = arith.constant 0 : i32
    %dma_wait3A_251 = arith.constant 0 : i32
    %dma_wait3A_252 = tpu.memref_slice %arg7[%dma_wait3A_243, %dma_wait3A_250, %dma_wait3A_251] : memref<3x128x128xf32, #tpu.memory_space<vmem>> -> memref<1x128x128xf32, #tpu.memory_space<vmem>>
    %dma_wait3A_253 = tpu.memref_squeeze %dma_wait3A_252 : memref<1x128x128xf32, #tpu.memory_space<vmem>> -> memref<128x128xf32, #tpu.memory_space<vmem>>
    %dma_wait3A_254 = arith.constant 0 : i32
    %dma_wait3A_255 = tpu.memref_slice %arg2[%add3A_77, %dma_wait3A_254] : memref<16384x128xf32, #tpu.memory_space<hbm>> -> memref<128x128xf32, #tpu.memory_space<hbm>>
    tpu.wait_dma2 semaphore(%arg13 : memref<!tpu.dma_semaphore, #tpu.memory_space<semaphore_mem>>) src(%dma_wait3A_255 : memref<128x128xf32, #tpu.memory_space<hbm>>) dst(%dma_wait3A_253 : memref<128x128xf32, #tpu.memory_space<vmem>>)
    %parallel_loop3A_256 = arith.constant 0 : i32
    %parallel_loop3A_257 = arith.constant 128 : i32
    %parallel_loop3A_258 = arith.constant 1 : i32
    %parallel_loop3A_259 = arith.constant 2 : i32
    %parallel_loop3A_260 = arith.constant 2 : i32
    scf.for %parallel_loop3A_360 = %parallel_loop3A_256 to %parallel_loop3A_257 step %parallel_loop3A_258  : i32 {
      %parallel_loop3A_361 = arith.constant 0 : i32
      %parallel_loop3A_362 = arith.constant 0 : i32
      %parallel_loop3A_363 = tpu.memref_slice %arg6[%parallel_loop3A_259, %parallel_loop3A_361, %parallel_loop3A_362] : memref<3x128x128xf32, #tpu.memory_space<vmem>> -> memref<1x128x128xf32, #tpu.memory_space<vmem>>
      %parallel_loop3A_364 = tpu.memref_squeeze %parallel_loop3A_363 : memref<1x128x128xf32, #tpu.memory_space<vmem>> -> memref<128x128xf32, #tpu.memory_space<vmem>>
      %parallel_loop3A_365 = arith.index_cast %parallel_loop3A_360 : i32 to index
      %parallel_loop3A_366 = arith.constant 0 : index
      %parallel_loop3A_367 = tpu.vector_load %parallel_loop3A_364[%parallel_loop3A_365, %parallel_loop3A_366] {strides = array<i32>} : memref<128x128xf32, #tpu.memory_space<vmem>>, vector<1x16xf32>,
      %parallel_loop3A_368 = vector.shape_cast %parallel_loop3A_367 : vector<1x16xf32> to vector<16xf32>
      %parallel_loop3A_369 = arith.constant 0 : i32
      %parallel_loop3A_370 = arith.constant 0 : i32
      %parallel_loop3A_371 = tpu.memref_slice %arg7[%parallel_loop3A_260, %parallel_loop3A_369, %parallel_loop3A_370] : memref<3x128x128xf32, #tpu.memory_space<vmem>> -> memref<1x128x128xf32, #tpu.memory_space<vmem>>
      %parallel_loop3A_372 = tpu.memref_squeeze %parallel_loop3A_371 : memref<1x128x128xf32, #tpu.memory_space<vmem>> -> memref<128x128xf32, #tpu.memory_space<vmem>>
      %parallel_loop3A_373 = arith.index_cast %parallel_loop3A_360 : i32 to index
      %parallel_loop3A_374 = arith.constant 0 : index
      %parallel_loop3A_375 = tpu.vector_load %parallel_loop3A_372[%parallel_loop3A_373, %parallel_loop3A_374] {strides = array<i32>} : memref<128x128xf32, #tpu.memory_space<vmem>>, vector<1x16xf32>,
      %parallel_loop3A_376 = vector.shape_cast %parallel_loop3A_375 : vector<1x16xf32> to vector<16xf32>
      %parallel_loop3A_377 = arith.select %eq3A_20, %parallel_loop3A_368, %parallel_loop3A_376 : vector<16xi1>, vector<16xf32>
      %parallel_loop3A_378 = arith.constant 0 : i32
      %parallel_loop3A_379 = arith.constant 0 : i32
      %parallel_loop3A_380 = tpu.memref_slice %arg7[%parallel_loop3A_260, %parallel_loop3A_378, %parallel_loop3A_379] : memref<3x128x128xf32, #tpu.memory_space<vmem>> -> memref<1x128x128xf32, #tpu.memory_space<vmem>>
      %parallel_loop3A_381 = tpu.memref_squeeze %parallel_loop3A_380 : memref<1x128x128xf32, #tpu.memory_space<vmem>> -> memref<128x128xf32, #tpu.memory_space<vmem>>
      %parallel_loop3A_382 = arith.index_cast %parallel_loop3A_360 : i32 to index
      %parallel_loop3A_383 = arith.constant 0 : index
      %parallel_loop3A_384 = tpu.vector_load %parallel_loop3A_381[%parallel_loop3A_382, %parallel_loop3A_383] {strides = array<i32>} : memref<128x128xf32, #tpu.memory_space<vmem>>, vector<1x16xf32>,
      %parallel_loop3A_385 = vector.shape_cast %parallel_loop3A_384 : vector<1x16xf32> to vector<16xf32>
      %parallel_loop3A_386 = vector.shape_cast %parallel_loop3A_377 : vector<16xf32> to vector<1x16xf32>
      tpu.vector_store %parallel_loop3A_381[%parallel_loop3A_382, %parallel_loop3A_383], %parallel_loop3A_386 {strides = array<i32>} : memref<128x128xf32, #tpu.memory_space<vmem>>, vector<1x16xf32>,
      %parallel_loop3A_387 = arith.constant 0 : i32
      %parallel_loop3A_388 = arith.constant 0 : i32
      %parallel_loop3A_389 = tpu.memref_slice %arg6[%parallel_loop3A_259, %parallel_loop3A_387, %parallel_loop3A_388] : memref<3x128x128xf32, #tpu.memory_space<vmem>> -> memref<1x128x128xf32, #tpu.memory_space<vmem>>
      %parallel_loop3A_390 = tpu.memref_squeeze %parallel_loop3A_389 : memref<1x128x128xf32, #tpu.memory_space<vmem>> -> memref<128x128xf32, #tpu.memory_space<vmem>>
      %parallel_loop3A_391 = arith.index_cast %parallel_loop3A_360 : i32 to index
      %parallel_loop3A_392 = arith.constant 16 : index
      %parallel_loop3A_393 = tpu.vector_load %parallel_loop3A_390[%parallel_loop3A_391, %parallel_loop3A_392] {strides = array<i32>} : memref<128x128xf32, #tpu.memory_space<vmem>>, vector<1x16xf32>,
      %parallel_loop3A_394 = vector.shape_cast %parallel_loop3A_393 : vector<1x16xf32> to vector<16xf32>
      %parallel_loop3A_395 = arith.constant 0 : i32
      %parallel_loop3A_396 = arith.constant 0 : i32
      %parallel_loop3A_397 = tpu.memref_slice %arg7[%parallel_loop3A_260, %parallel_loop3A_395, %parallel_loop3A_396] : memref<3x128x128xf32, #tpu.memory_space<vmem>> -> memref<1x128x128xf32, #tpu.memory_space<vmem>>
      %parallel_loop3A_398 = tpu.memref_squeeze %parallel_loop3A_397 : memref<1x128x128xf32, #tpu.memory_space<vmem>> -> memref<128x128xf32, #tpu.memory_space<vmem>>
      %parallel_loop3A_399 = arith.index_cast %parallel_loop3A_360 : i32 to index
      %parallel_loop3A_400 = arith.constant 16 : index
      %parallel_loop3A_401 = tpu.vector_load %parallel_loop3A_398[%parallel_loop3A_399, %parallel_loop3A_400] {strides = array<i32>} : memref<128x128xf32, #tpu.memory_space<vmem>>, vector<1x16xf32>,
      %parallel_loop3A_402 = vector.shape_cast %parallel_loop3A_401 : vector<1x16xf32> to vector<16xf32>
      %parallel_loop3A_403 = arith.select %eq3A_20, %parallel_loop3A_394, %parallel_loop3A_402 : vector<16xi1>, vector<16xf32>
      %parallel_loop3A_404 = arith.constant 0 : i32
      %parallel_loop3A_405 = arith.constant 0 : i32
      %parallel_loop3A_406 = tpu.memref_slice %arg7[%parallel_loop3A_260, %parallel_loop3A_404, %parallel_loop3A_405] : memref<3x128x128xf32, #tpu.memory_space<vmem>> -> memref<1x128x128xf32, #tpu.memory_space<vmem>>
      %parallel_loop3A_407 = tpu.memref_squeeze %parallel_loop3A_406 : memref<1x128x128xf32, #tpu.memory_space<vmem>> -> memref<128x128xf32, #tpu.memory_space<vmem>>
      %parallel_loop3A_408 = arith.index_cast %parallel_loop3A_360 : i32 to index
      %parallel_loop3A_409 = arith.constant 16 : index
      %parallel_loop3A_410 = tpu.vector_load %parallel_loop3A_407[%parallel_loop3A_408, %parallel_loop3A_409] {strides = array<i32>} : memref<128x128xf32, #tpu.memory_space<vmem>>, vector<1x16xf32>,
      %parallel_loop3A_411 = vector.shape_cast %parallel_loop3A_410 : vector<1x16xf32> to vector<16xf32>
      %parallel_loop3A_412 = vector.shape_cast %parallel_loop3A_403 : vector<16xf32> to vector<1x16xf32>
      tpu.vector_store %parallel_loop3A_407[%parallel_loop3A_408, %parallel_loop3A_409], %parallel_loop3A_412 {strides = array<i32>} : memref<128x128xf32, #tpu.memory_space<vmem>>, vector<1x16xf32>,
      %parallel_loop3A_413 = arith.constant 0 : i32
      %parallel_loop3A_414 = arith.constant 0 : i32
      %parallel_loop3A_415 = tpu.memref_slice %arg6[%parallel_loop3A_259, %parallel_loop3A_413, %parallel_loop3A_414] : memref<3x128x128xf32, #tpu.memory_space<vmem>> -> memref<1x128x128xf32, #tpu.memory_space<vmem>>
      %parallel_loop3A_416 = tpu.memref_squeeze %parallel_loop3A_415 : memref<1x128x128xf32, #tpu.memory_space<vmem>> -> memref<128x128xf32, #tpu.memory_space<vmem>>
      %parallel_loop3A_417 = arith.index_cast %parallel_loop3A_360 : i32 to index
      %parallel_loop3A_418 = arith.constant 32 : index
      %parallel_loop3A_419 = tpu.vector_load %parallel_loop3A_416[%parallel_loop3A_417, %parallel_loop3A_418] {strides = array<i32>} : memref<128x128xf32, #tpu.memory_space<vmem>>, vector<1x16xf32>,
      %parallel_loop3A_420 = vector.shape_cast %parallel_loop3A_419 : vector<1x16xf32> to vector<16xf32>
      %parallel_loop3A_421 = arith.constant 0 : i32
      %parallel_loop3A_422 = arith.constant 0 : i32
      %parallel_loop3A_423 = tpu.memref_slice %arg7[%parallel_loop3A_260, %parallel_loop3A_421, %parallel_loop3A_422] : memref<3x128x128xf32, #tpu.memory_space<vmem>> -> memref<1x128x128xf32, #tpu.memory_space<vmem>>
      %parallel_loop3A_424 = tpu.memref_squeeze %parallel_loop3A_423 : memref<1x128x128xf32, #tpu.memory_space<vmem>> -> memref<128x128xf32, #tpu.memory_space<vmem>>
      %parallel_loop3A_425 = arith.index_cast %parallel_loop3A_360 : i32 to index
      %parallel_loop3A_426 = arith.constant 32 : index
      %parallel_loop3A_427 = tpu.vector_load %parallel_loop3A_424[%parallel_loop3A_425, %parallel_loop3A_426] {strides = array<i32>} : memref<128x128xf32, #tpu.memory_space<vmem>>, vector<1x16xf32>,
      %parallel_loop3A_428 = vector.shape_cast %parallel_loop3A_427 : vector<1x16xf32> to vector<16xf32>
      %parallel_loop3A_429 = arith.select %eq3A_20, %parallel_loop3A_420, %parallel_loop3A_428 : vector<16xi1>, vector<16xf32>
      %parallel_loop3A_430 = arith.constant 0 : i32
      %parallel_loop3A_431 = arith.constant 0 : i32
      %parallel_loop3A_432 = tpu.memref_slice %arg7[%parallel_loop3A_260, %parallel_loop3A_430, %parallel_loop3A_431] : memref<3x128x128xf32, #tpu.memory_space<vmem>> -> memref<1x128x128xf32, #tpu.memory_space<vmem>>
      %parallel_loop3A_433 = tpu.memref_squeeze %parallel_loop3A_432 : memref<1x128x128xf32, #tpu.memory_space<vmem>> -> memref<128x128xf32, #tpu.memory_space<vmem>>
      %parallel_loop3A_434 = arith.index_cast %parallel_loop3A_360 : i32 to index
      %parallel_loop3A_435 = arith.constant 32 : index
      %parallel_loop3A_436 = tpu.vector_load %parallel_loop3A_433[%parallel_loop3A_434, %parallel_loop3A_435] {strides = array<i32>} : memref<128x128xf32, #tpu.memory_space<vmem>>, vector<1x16xf32>,
      %parallel_loop3A_437 = vector.shape_cast %parallel_loop3A_436 : vector<1x16xf32> to vector<16xf32>
      %parallel_loop3A_438 = vector.shape_cast %parallel_loop3A_429 : vector<16xf32> to vector<1x16xf32>
      tpu.vector_store %parallel_loop3A_433[%parallel_loop3A_434, %parallel_loop3A_435], %parallel_loop3A_438 {strides = array<i32>} : memref<128x128xf32, #tpu.memory_space<vmem>>, vector<1x16xf32>,
      %parallel_loop3A_439 = arith.constant 0 : i32
      %parallel_loop3A_440 = arith.constant 0 : i32
      %parallel_loop3A_441 = tpu.memref_slice %arg6[%parallel_loop3A_259, %parallel_loop3A_439, %parallel_loop3A_440] : memref<3x128x128xf32, #tpu.memory_space<vmem>> -> memref<1x128x128xf32, #tpu.memory_space<vmem>>
      %parallel_loop3A_442 = tpu.memref_squeeze %parallel_loop3A_441 : memref<1x128x128xf32, #tpu.memory_space<vmem>> -> memref<128x128xf32, #tpu.memory_space<vmem>>
      %parallel_loop3A_443 = arith.index_cast %parallel_loop3A_360 : i32 to index
      %parallel_loop3A_444 = arith.constant 48 : index
      %parallel_loop3A_445 = tpu.vector_load %parallel_loop3A_442[%parallel_loop3A_443, %parallel_loop3A_444] {strides = array<i32>} : memref<128x128xf32, #tpu.memory_space<vmem>>, vector<1x16xf32>,
      %parallel_loop3A_446 = vector.shape_cast %parallel_loop3A_445 : vector<1x16xf32> to vector<16xf32>
      %parallel_loop3A_447 = arith.constant 0 : i32
      %parallel_loop3A_448 = arith.constant 0 : i32
      %parallel_loop3A_449 = tpu.memref_slice %arg7[%parallel_loop3A_260, %parallel_loop3A_447, %parallel_loop3A_448] : memref<3x128x128xf32, #tpu.memory_space<vmem>> -> memref<1x128x128xf32, #tpu.memory_space<vmem>>
      %parallel_loop3A_450 = tpu.memref_squeeze %parallel_loop3A_449 : memref<1x128x128xf32, #tpu.memory_space<vmem>> -> memref<128x128xf32, #tpu.memory_space<vmem>>
      %parallel_loop3A_451 = arith.index_cast %parallel_loop3A_360 : i32 to index
      %parallel_loop3A_452 = arith.constant 48 : index
      %parallel_loop3A_453 = tpu.vector_load %parallel_loop3A_450[%parallel_loop3A_451, %parallel_loop3A_452] {strides = array<i32>} : memref<128x128xf32, #tpu.memory_space<vmem>>, vector<1x16xf32>,
      %parallel_loop3A_454 = vector.shape_cast %parallel_loop3A_453 : vector<1x16xf32> to vector<16xf32>
      %parallel_loop3A_455 = arith.select %eq3A_20, %parallel_loop3A_446, %parallel_loop3A_454 : vector<16xi1>, vector<16xf32>
      %parallel_loop3A_456 = arith.constant 0 : i32
      %parallel_loop3A_457 = arith.constant 0 : i32
      %parallel_loop3A_458 = tpu.memref_slice %arg7[%parallel_loop3A_260, %parallel_loop3A_456, %parallel_loop3A_457] : memref<3x128x128xf32, #tpu.memory_space<vmem>> -> memref<1x128x128xf32, #tpu.memory_space<vmem>>
      %parallel_loop3A_459 = tpu.memref_squeeze %parallel_loop3A_458 : memref<1x128x128xf32, #tpu.memory_space<vmem>> -> memref<128x128xf32, #tpu.memory_space<vmem>>
      %parallel_loop3A_460 = arith.index_cast %parallel_loop3A_360 : i32 to index
      %parallel_loop3A_461 = arith.constant 48 : index
      %parallel_loop3A_462 = tpu.vector_load %parallel_loop3A_459[%parallel_loop3A_460, %parallel_loop3A_461] {strides = array<i32>} : memref<128x128xf32, #tpu.memory_space<vmem>>, vector<1x16xf32>,
      %parallel_loop3A_463 = vector.shape_cast %parallel_loop3A_462 : vector<1x16xf32> to vector<16xf32>
      %parallel_loop3A_464 = vector.shape_cast %parallel_loop3A_455 : vector<16xf32> to vector<1x16xf32>
      tpu.vector_store %parallel_loop3A_459[%parallel_loop3A_460, %parallel_loop3A_461], %parallel_loop3A_464 {strides = array<i32>} : memref<128x128xf32, #tpu.memory_space<vmem>>, vector<1x16xf32>,
      %parallel_loop3A_465 = arith.constant 0 : i32
      %parallel_loop3A_466 = arith.constant 0 : i32
      %parallel_loop3A_467 = tpu.memref_slice %arg6[%parallel_loop3A_259, %parallel_loop3A_465, %parallel_loop3A_466] : memref<3x128x128xf32, #tpu.memory_space<vmem>> -> memref<1x128x128xf32, #tpu.memory_space<vmem>>
      %parallel_loop3A_468 = tpu.memref_squeeze %parallel_loop3A_467 : memref<1x128x128xf32, #tpu.memory_space<vmem>> -> memref<128x128xf32, #tpu.memory_space<vmem>>
      %parallel_loop3A_469 = arith.index_cast %parallel_loop3A_360 : i32 to index
      %parallel_loop3A_470 = arith.constant 64 : index
      %parallel_loop3A_471 = tpu.vector_load %parallel_loop3A_468[%parallel_loop3A_469, %parallel_loop3A_470] {strides = array<i32>} : memref<128x128xf32, #tpu.memory_space<vmem>>, vector<1x16xf32>,
      %parallel_loop3A_472 = vector.shape_cast %parallel_loop3A_471 : vector<1x16xf32> to vector<16xf32>
      %parallel_loop3A_473 = arith.constant 0 : i32
      %parallel_loop3A_474 = arith.constant 0 : i32
      %parallel_loop3A_475 = tpu.memref_slice %arg7[%parallel_loop3A_260, %parallel_loop3A_473, %parallel_loop3A_474] : memref<3x128x128xf32, #tpu.memory_space<vmem>> -> memref<1x128x128xf32, #tpu.memory_space<vmem>>
      %parallel_loop3A_476 = tpu.memref_squeeze %parallel_loop3A_475 : memref<1x128x128xf32, #tpu.memory_space<vmem>> -> memref<128x128xf32, #tpu.memory_space<vmem>>
      %parallel_loop3A_477 = arith.index_cast %parallel_loop3A_360 : i32 to index
      %parallel_loop3A_478 = arith.constant 64 : index
      %parallel_loop3A_479 = tpu.vector_load %parallel_loop3A_476[%parallel_loop3A_477, %parallel_loop3A_478] {strides = array<i32>} : memref<128x128xf32, #tpu.memory_space<vmem>>, vector<1x16xf32>,
      %parallel_loop3A_480 = vector.shape_cast %parallel_loop3A_479 : vector<1x16xf32> to vector<16xf32>
      %parallel_loop3A_481 = arith.select %eq3A_20, %parallel_loop3A_472, %parallel_loop3A_480 : vector<16xi1>, vector<16xf32>
      %parallel_loop3A_482 = arith.constant 0 : i32
      %parallel_loop3A_483 = arith.constant 0 : i32
      %parallel_loop3A_484 = tpu.memref_slice %arg7[%parallel_loop3A_260, %parallel_loop3A_482, %parallel_loop3A_483] : memref<3x128x128xf32, #tpu.memory_space<vmem>> -> memref<1x128x128xf32, #tpu.memory_space<vmem>>
      %parallel_loop3A_485 = tpu.memref_squeeze %parallel_loop3A_484 : memref<1x128x128xf32, #tpu.memory_space<vmem>> -> memref<128x128xf32, #tpu.memory_space<vmem>>
      %parallel_loop3A_486 = arith.index_cast %parallel_loop3A_360 : i32 to index
      %parallel_loop3A_487 = arith.constant 64 : index
      %parallel_loop3A_488 = tpu.vector_load %parallel_loop3A_485[%parallel_loop3A_486, %parallel_loop3A_487] {strides = array<i32>} : memref<128x128xf32, #tpu.memory_space<vmem>>, vector<1x16xf32>,
      %parallel_loop3A_489 = vector.shape_cast %parallel_loop3A_488 : vector<1x16xf32> to vector<16xf32>
      %parallel_loop3A_490 = vector.shape_cast %parallel_loop3A_481 : vector<16xf32> to vector<1x16xf32>
      tpu.vector_store %parallel_loop3A_485[%parallel_loop3A_486, %parallel_loop3A_487], %parallel_loop3A_490 {strides = array<i32>} : memref<128x128xf32, #tpu.memory_space<vmem>>, vector<1x16xf32>,
      %parallel_loop3A_491 = arith.constant 0 : i32
      %parallel_loop3A_492 = arith.constant 0 : i32
      %parallel_loop3A_493 = tpu.memref_slice %arg6[%parallel_loop3A_259, %parallel_loop3A_491, %parallel_loop3A_492] : memref<3x128x128xf32, #tpu.memory_space<vmem>> -> memref<1x128x128xf32, #tpu.memory_space<vmem>>
      %parallel_loop3A_494 = tpu.memref_squeeze %parallel_loop3A_493 : memref<1x128x128xf32, #tpu.memory_space<vmem>> -> memref<128x128xf32, #tpu.memory_space<vmem>>
      %parallel_loop3A_495 = arith.index_cast %parallel_loop3A_360 : i32 to index
      %parallel_loop3A_496 = arith.constant 80 : index
      %parallel_loop3A_497 = tpu.vector_load %parallel_loop3A_494[%parallel_loop3A_495, %parallel_loop3A_496] {strides = array<i32>} : memref<128x128xf32, #tpu.memory_space<vmem>>, vector<1x16xf32>,
      %parallel_loop3A_498 = vector.shape_cast %parallel_loop3A_497 : vector<1x16xf32> to vector<16xf32>
      %parallel_loop3A_499 = arith.constant 0 : i32
      %parallel_loop3A_500 = arith.constant 0 : i32
      %parallel_loop3A_501 = tpu.memref_slice %arg7[%parallel_loop3A_260, %parallel_loop3A_499, %parallel_loop3A_500] : memref<3x128x128xf32, #tpu.memory_space<vmem>> -> memref<1x128x128xf32, #tpu.memory_space<vmem>>
      %parallel_loop3A_502 = tpu.memref_squeeze %parallel_loop3A_501 : memref<1x128x128xf32, #tpu.memory_space<vmem>> -> memref<128x128xf32, #tpu.memory_space<vmem>>
      %parallel_loop3A_503 = arith.index_cast %parallel_loop3A_360 : i32 to index
      %parallel_loop3A_504 = arith.constant 80 : index
      %parallel_loop3A_505 = tpu.vector_load %parallel_loop3A_502[%parallel_loop3A_503, %parallel_loop3A_504] {strides = array<i32>} : memref<128x128xf32, #tpu.memory_space<vmem>>, vector<1x16xf32>,
      %parallel_loop3A_506 = vector.shape_cast %parallel_loop3A_505 : vector<1x16xf32> to vector<16xf32>
      %parallel_loop3A_507 = arith.select %eq3A_20, %parallel_loop3A_498, %parallel_loop3A_506 : vector<16xi1>, vector<16xf32>
      %parallel_loop3A_508 = arith.constant 0 : i32
      %parallel_loop3A_509 = arith.constant 0 : i32
      %parallel_loop3A_510 = tpu.memref_slice %arg7[%parallel_loop3A_260, %parallel_loop3A_508, %parallel_loop3A_509] : memref<3x128x128xf32, #tpu.memory_space<vmem>> -> memref<1x128x128xf32, #tpu.memory_space<vmem>>
      %parallel_loop3A_511 = tpu.memref_squeeze %parallel_loop3A_510 : memref<1x128x128xf32, #tpu.memory_space<vmem>> -> memref<128x128xf32, #tpu.memory_space<vmem>>
      %parallel_loop3A_512 = arith.index_cast %parallel_loop3A_360 : i32 to index
      %parallel_loop3A_513 = arith.constant 80 : index
      %parallel_loop3A_514 = tpu.vector_load %parallel_loop3A_511[%parallel_loop3A_512, %parallel_loop3A_513] {strides = array<i32>} : memref<128x128xf32, #tpu.memory_space<vmem>>, vector<1x16xf32>,
      %parallel_loop3A_515 = vector.shape_cast %parallel_loop3A_514 : vector<1x16xf32> to vector<16xf32>
      %parallel_loop3A_516 = vector.shape_cast %parallel_loop3A_507 : vector<16xf32> to vector<1x16xf32>
      tpu.vector_store %parallel_loop3A_511[%parallel_loop3A_512, %parallel_loop3A_513], %parallel_loop3A_516 {strides = array<i32>} : memref<128x128xf32, #tpu.memory_space<vmem>>, vector<1x16xf32>,
      %parallel_loop3A_517 = arith.constant 0 : i32
      %parallel_loop3A_518 = arith.constant 0 : i32
      %parallel_loop3A_519 = tpu.memref_slice %arg6[%parallel_loop3A_259, %parallel_loop3A_517, %parallel_loop3A_518] : memref<3x128x128xf32, #tpu.memory_space<vmem>> -> memref<1x128x128xf32, #tpu.memory_space<vmem>>
      %parallel_loop3A_520 = tpu.memref_squeeze %parallel_loop3A_519 : memref<1x128x128xf32, #tpu.memory_space<vmem>> -> memref<128x128xf32, #tpu.memory_space<vmem>>
      %parallel_loop3A_521 = arith.index_cast %parallel_loop3A_360 : i32 to index
      %parallel_loop3A_522 = arith.constant 96 : index
      %parallel_loop3A_523 = tpu.vector_load %parallel_loop3A_520[%parallel_loop3A_521, %parallel_loop3A_522] {strides = array<i32>} : memref<128x128xf32, #tpu.memory_space<vmem>>, vector<1x16xf32>,
      %parallel_loop3A_524 = vector.shape_cast %parallel_loop3A_523 : vector<1x16xf32> to vector<16xf32>
      %parallel_loop3A_525 = arith.constant 0 : i32
      %parallel_loop3A_526 = arith.constant 0 : i32
      %parallel_loop3A_527 = tpu.memref_slice %arg7[%parallel_loop3A_260, %parallel_loop3A_525, %parallel_loop3A_526] : memref<3x128x128xf32, #tpu.memory_space<vmem>> -> memref<1x128x128xf32, #tpu.memory_space<vmem>>
      %parallel_loop3A_528 = tpu.memref_squeeze %parallel_loop3A_527 : memref<1x128x128xf32, #tpu.memory_space<vmem>> -> memref<128x128xf32, #tpu.memory_space<vmem>>
      %parallel_loop3A_529 = arith.index_cast %parallel_loop3A_360 : i32 to index
      %parallel_loop3A_530 = arith.constant 96 : index
      %parallel_loop3A_531 = tpu.vector_load %parallel_loop3A_528[%parallel_loop3A_529, %parallel_loop3A_530] {strides = array<i32>} : memref<128x128xf32, #tpu.memory_space<vmem>>, vector<1x16xf32>,
      %parallel_loop3A_532 = vector.shape_cast %parallel_loop3A_531 : vector<1x16xf32> to vector<16xf32>
      %parallel_loop3A_533 = arith.select %eq3A_20, %parallel_loop3A_524, %parallel_loop3A_532 : vector<16xi1>, vector<16xf32>
      %parallel_loop3A_534 = arith.constant 0 : i32
      %parallel_loop3A_535 = arith.constant 0 : i32
      %parallel_loop3A_536 = tpu.memref_slice %arg7[%parallel_loop3A_260, %parallel_loop3A_534, %parallel_loop3A_535] : memref<3x128x128xf32, #tpu.memory_space<vmem>> -> memref<1x128x128xf32, #tpu.memory_space<vmem>>
      %parallel_loop3A_537 = tpu.memref_squeeze %parallel_loop3A_536 : memref<1x128x128xf32, #tpu.memory_space<vmem>> -> memref<128x128xf32, #tpu.memory_space<vmem>>
      %parallel_loop3A_538 = arith.index_cast %parallel_loop3A_360 : i32 to index
      %parallel_loop3A_539 = arith.constant 96 : index
      %parallel_loop3A_540 = tpu.vector_load %parallel_loop3A_537[%parallel_loop3A_538, %parallel_loop3A_539] {strides = array<i32>} : memref<128x128xf32, #tpu.memory_space<vmem>>, vector<1x16xf32>,
      %parallel_loop3A_541 = vector.shape_cast %parallel_loop3A_540 : vector<1x16xf32> to vector<16xf32>
      %parallel_loop3A_542 = vector.shape_cast %parallel_loop3A_533 : vector<16xf32> to vector<1x16xf32>
      tpu.vector_store %parallel_loop3A_537[%parallel_loop3A_538, %parallel_loop3A_539], %parallel_loop3A_542 {strides = array<i32>} : memref<128x128xf32, #tpu.memory_space<vmem>>, vector<1x16xf32>,
      %parallel_loop3A_543 = arith.constant 0 : i32
      %parallel_loop3A_544 = arith.constant 0 : i32
      %parallel_loop3A_545 = tpu.memref_slice %arg6[%parallel_loop3A_259, %parallel_loop3A_543, %parallel_loop3A_544] : memref<3x128x128xf32, #tpu.memory_space<vmem>> -> memref<1x128x128xf32, #tpu.memory_space<vmem>>
      %parallel_loop3A_546 = tpu.memref_squeeze %parallel_loop3A_545 : memref<1x128x128xf32, #tpu.memory_space<vmem>> -> memref<128x128xf32, #tpu.memory_space<vmem>>
      %parallel_loop3A_547 = arith.index_cast %parallel_loop3A_360 : i32 to index
      %parallel_loop3A_548 = arith.constant 112 : index
      %parallel_loop3A_549 = tpu.vector_load %parallel_loop3A_546[%parallel_loop3A_547, %parallel_loop3A_548] {strides = array<i32>} : memref<128x128xf32, #tpu.memory_space<vmem>>, vector<1x16xf32>,
      %parallel_loop3A_550 = vector.shape_cast %parallel_loop3A_549 : vector<1x16xf32> to vector<16xf32>
      %parallel_loop3A_551 = arith.constant 0 : i32
      %parallel_loop3A_552 = arith.constant 0 : i32
      %parallel_loop3A_553 = tpu.memref_slice %arg7[%parallel_loop3A_260, %parallel_loop3A_551, %parallel_loop3A_552] : memref<3x128x128xf32, #tpu.memory_space<vmem>> -> memref<1x128x128xf32, #tpu.memory_space<vmem>>
      %parallel_loop3A_554 = tpu.memref_squeeze %parallel_loop3A_553 : memref<1x128x128xf32, #tpu.memory_space<vmem>> -> memref<128x128xf32, #tpu.memory_space<vmem>>
      %parallel_loop3A_555 = arith.index_cast %parallel_loop3A_360 : i32 to index
      %parallel_loop3A_556 = arith.constant 112 : index
      %parallel_loop3A_557 = tpu.vector_load %parallel_loop3A_554[%parallel_loop3A_555, %parallel_loop3A_556] {strides = array<i32>} : memref<128x128xf32, #tpu.memory_space<vmem>>, vector<1x16xf32>,
      %parallel_loop3A_558 = vector.shape_cast %parallel_loop3A_557 : vector<1x16xf32> to vector<16xf32>
      %parallel_loop3A_559 = arith.select %eq3A_20, %parallel_loop3A_550, %parallel_loop3A_558 : vector<16xi1>, vector<16xf32>
      %parallel_loop3A_560 = arith.constant 0 : i32
      %parallel_loop3A_561 = arith.constant 0 : i32
      %parallel_loop3A_562 = tpu.memref_slice %arg7[%parallel_loop3A_260, %parallel_loop3A_560, %parallel_loop3A_561] : memref<3x128x128xf32, #tpu.memory_space<vmem>> -> memref<1x128x128xf32, #tpu.memory_space<vmem>>
      %parallel_loop3A_563 = tpu.memref_squeeze %parallel_loop3A_562 : memref<1x128x128xf32, #tpu.memory_space<vmem>> -> memref<128x128xf32, #tpu.memory_space<vmem>>
      %parallel_loop3A_564 = arith.index_cast %parallel_loop3A_360 : i32 to index
      %parallel_loop3A_565 = arith.constant 112 : index
      %parallel_loop3A_566 = tpu.vector_load %parallel_loop3A_563[%parallel_loop3A_564, %parallel_loop3A_565] {strides = array<i32>} : memref<128x128xf32, #tpu.memory_space<vmem>>, vector<1x16xf32>,
      %parallel_loop3A_567 = vector.shape_cast %parallel_loop3A_566 : vector<1x16xf32> to vector<16xf32>
      %parallel_loop3A_568 = vector.shape_cast %parallel_loop3A_559 : vector<16xf32> to vector<1x16xf32>
      tpu.vector_store %parallel_loop3A_563[%parallel_loop3A_564, %parallel_loop3A_565], %parallel_loop3A_568 {strides = array<i32>} : memref<128x128xf32, #tpu.memory_space<vmem>>, vector<1x16xf32>,
    } {sc.loop_unroll_factor = 2 : i64, sc.parallel_access}
    %add3A_261 = arith.constant 256 : i32
    %add3A_262 = arith.addi %mul3A_2, %add3A_261 : i32
    %dma_start3A_263 = arith.constant 2 : i32
    %dma_start3A_264 = arith.constant 0 : i32
    %dma_start3A_265 = arith.constant 0 : i32
    %dma_start3A_266 = tpu.memref_slice %arg7[%dma_start3A_263, %dma_start3A_264, %dma_start3A_265] : memref<3x128x128xf32, #tpu.memory_space<vmem>> -> memref<1x128x128xf32, #tpu.memory_space<vmem>>
    %dma_start3A_267 = tpu.memref_squeeze %dma_start3A_266 : memref<1x128x128xf32, #tpu.memory_space<vmem>> -> memref<128x128xf32, #tpu.memory_space<vmem>>
    %dma_start3A_268 = arith.constant 0 : i32
    %dma_start3A_269 = tpu.memref_slice %arg4[%add3A_262, %dma_start3A_268] : memref<16384x128xf32, #tpu.memory_space<hbm>> -> memref<128x128xf32, #tpu.memory_space<hbm>>
    %dma_start3A_270 = arith.constant 0 : i32
    %dma_start3A_271 = tpu.memref_slice %arg4[%add3A_262, %dma_start3A_270] : memref<16384x128xf32, #tpu.memory_space<hbm>> -> memref<128x128xf32, #tpu.memory_space<hbm>>
    %dma_start3A_272 = arith.constant 0 : i32
    %dma_start3A_273 = arith.constant 0 : i32
    %dma_start3A_274 = tpu.memref_slice %arg7[%dma_start3A_263, %dma_start3A_272, %dma_start3A_273] : memref<3x128x128xf32, #tpu.memory_space<vmem>> -> memref<1x128x128xf32, #tpu.memory_space<vmem>>
    %dma_start3A_275 = tpu.memref_squeeze %dma_start3A_274 : memref<1x128x128xf32, #tpu.memory_space<vmem>> -> memref<128x128xf32, #tpu.memory_space<vmem>>
    tpu.enqueue_dma source(%dma_start3A_275 : memref<128x128xf32, #tpu.memory_space<vmem>>) target(%dma_start3A_271 : memref<128x128xf32, #tpu.memory_space<hbm>>) target_semaphore(%arg16 : memref<!tpu.dma_semaphore, #tpu.memory_space<semaphore_mem>>)
    %dma_wait3A_276 = arith.constant 3 : i32
    %dma_wait3A_277 = arith.constant 0 : i32
    %dma_wait3A_278 = arith.constant 0 : i32
    %dma_wait3A_279 = arith.constant 0 : i32
    %dma_wait3A_280 = tpu.memref_slice %arg6[%dma_wait3A_277, %dma_wait3A_278, %dma_wait3A_279] : memref<3x128x128xf32, #tpu.memory_space<vmem>> -> memref<1x128x128xf32, #tpu.memory_space<vmem>>
    %dma_wait3A_281 = tpu.memref_squeeze %dma_wait3A_280 : memref<1x128x128xf32, #tpu.memory_space<vmem>> -> memref<128x128xf32, #tpu.memory_space<vmem>>
    %dma_wait3A_282 = arith.constant 0 : i32
    %dma_wait3A_283 = tpu.memref_slice %arg5[%dma_wait3A_276, %dma_wait3A_282] : memref<4x128xi32, #tpu.memory_space<vmem>> -> memref<1x128xi32, #tpu.memory_space<vmem>>
    %dma_wait3A_284 = tpu.memref_squeeze %dma_wait3A_283 : memref<1x128xi32, #tpu.memory_space<vmem>> -> memref<128xi32, #tpu.memory_space<vmem>>
    %dma_wait3A_285 = arith.constant 0 : i32
    %dma_wait3A_286 = arith.constant 0 : i32
    %dma_wait3A_287 = tpu.memref_slice %arg2[%dma_wait3A_285, %dma_wait3A_286] : memref<16384x128xf32, #tpu.memory_space<hbm>> -> memref<16384x128xf32, #tpu.memory_space<hbm>>
    tpu.wait_indirect_dma semaphore(%arg8 : memref<!tpu.dma_semaphore, #tpu.memory_space<semaphore_mem>>) src(%dma_wait3A_287 : memref<16384x128xf32, #tpu.memory_space<hbm>>) dst(%dma_wait3A_281 : memref<128x128xf32, #tpu.memory_space<vmem>>)
    %dma_wait3A_288 = arith.constant 0 : i32
    %dma_wait3A_289 = arith.constant 0 : i32
    %dma_wait3A_290 = arith.constant 0 : i32
    %dma_wait3A_291 = tpu.memref_slice %arg7[%dma_wait3A_288, %dma_wait3A_289, %dma_wait3A_290] : memref<3x128x128xf32, #tpu.memory_space<vmem>> -> memref<1x128x128xf32, #tpu.memory_space<vmem>>
    %dma_wait3A_292 = tpu.memref_squeeze %dma_wait3A_291 : memref<1x128x128xf32, #tpu.memory_space<vmem>> -> memref<128x128xf32, #tpu.memory_space<vmem>>
    %dma_wait3A_293 = arith.constant 0 : i32
    %dma_wait3A_294 = tpu.memref_slice %arg2[%add3A_160, %dma_wait3A_293] : memref<16384x128xf32, #tpu.memory_space<hbm>> -> memref<128x128xf32, #tpu.memory_space<hbm>>
    %dma_wait3A_295 = arith.constant 0 : i32
    %dma_wait3A_296 = arith.constant 0 : i32
    %dma_wait3A_297 = tpu.memref_slice %arg7[%dma_wait3A_288, %dma_wait3A_295, %dma_wait3A_296] : memref<3x128x128xf32, #tpu.memory_space<vmem>> -> memref<1x128x128xf32, #tpu.memory_space<vmem>>
    %dma_wait3A_298 = tpu.memref_squeeze %dma_wait3A_297 : memref<1x128x128xf32, #tpu.memory_space<vmem>> -> memref<128x128xf32, #tpu.memory_space<vmem>>
    %dma_wait3A_299 = arith.constant 0 : i32
    %dma_wait3A_300 = tpu.memref_slice %arg2[%add3A_160, %dma_wait3A_299] : memref<16384x128xf32, #tpu.memory_space<hbm>> -> memref<128x128xf32, #tpu.memory_space<hbm>>
    tpu.wait_dma2 semaphore(%arg11 : memref<!tpu.dma_semaphore, #tpu.memory_space<semaphore_mem>>) src(%dma_wait3A_300 : memref<128x128xf32, #tpu.memory_space<hbm>>) dst(%dma_wait3A_298 : memref<128x128xf32, #tpu.memory_space<vmem>>)
    %parallel_loop3A_301 = arith.constant 0 : i32
    %parallel_loop3A_302 = arith.constant 128 : i32
    %parallel_loop3A_303 = arith.constant 1 : i32
    %parallel_loop3A_304 = arith.constant 0 : i32
    %parallel_loop3A_305 = arith.constant 0 : i32
    scf.for %parallel_loop3A_360 = %parallel_loop3A_301 to %parallel_loop3A_302 step %parallel_loop3A_303  : i32 {
      %parallel_loop3A_361 = arith.constant 0 : i32
      %parallel_loop3A_362 = arith.constant 0 : i32
      %parallel_loop3A_363 = tpu.memref_slice %arg6[%parallel_loop3A_304, %parallel_loop3A_361, %parallel_loop3A_362] : memref<3x128x128xf32, #tpu.memory_space<vmem>> -> memref<1x128x128xf32, #tpu.memory_space<vmem>>
      %parallel_loop3A_364 = tpu.memref_squeeze %parallel_loop3A_363 : memref<1x128x128xf32, #tpu.memory_space<vmem>> -> memref<128x128xf32, #tpu.memory_space<vmem>>
      %parallel_loop3A_365 = arith.index_cast %parallel_loop3A_360 : i32 to index
      %parallel_loop3A_366 = arith.constant 0 : index
      %parallel_loop3A_367 = tpu.vector_load %parallel_loop3A_364[%parallel_loop3A_365, %parallel_loop3A_366] {strides = array<i32>} : memref<128x128xf32, #tpu.memory_space<vmem>>, vector<1x16xf32>,
      %parallel_loop3A_368 = vector.shape_cast %parallel_loop3A_367 : vector<1x16xf32> to vector<16xf32>
      %parallel_loop3A_369 = arith.constant 0 : i32
      %parallel_loop3A_370 = arith.constant 0 : i32
      %parallel_loop3A_371 = tpu.memref_slice %arg7[%parallel_loop3A_305, %parallel_loop3A_369, %parallel_loop3A_370] : memref<3x128x128xf32, #tpu.memory_space<vmem>> -> memref<1x128x128xf32, #tpu.memory_space<vmem>>
      %parallel_loop3A_372 = tpu.memref_squeeze %parallel_loop3A_371 : memref<1x128x128xf32, #tpu.memory_space<vmem>> -> memref<128x128xf32, #tpu.memory_space<vmem>>
      %parallel_loop3A_373 = arith.index_cast %parallel_loop3A_360 : i32 to index
      %parallel_loop3A_374 = arith.constant 0 : index
      %parallel_loop3A_375 = tpu.vector_load %parallel_loop3A_372[%parallel_loop3A_373, %parallel_loop3A_374] {strides = array<i32>} : memref<128x128xf32, #tpu.memory_space<vmem>>, vector<1x16xf32>,
      %parallel_loop3A_376 = vector.shape_cast %parallel_loop3A_375 : vector<1x16xf32> to vector<16xf32>
      %parallel_loop3A_377 = arith.select %eq3A_20, %parallel_loop3A_368, %parallel_loop3A_376 : vector<16xi1>, vector<16xf32>
      %parallel_loop3A_378 = arith.constant 0 : i32
      %parallel_loop3A_379 = arith.constant 0 : i32
      %parallel_loop3A_380 = tpu.memref_slice %arg7[%parallel_loop3A_305, %parallel_loop3A_378, %parallel_loop3A_379] : memref<3x128x128xf32, #tpu.memory_space<vmem>> -> memref<1x128x128xf32, #tpu.memory_space<vmem>>
      %parallel_loop3A_381 = tpu.memref_squeeze %parallel_loop3A_380 : memref<1x128x128xf32, #tpu.memory_space<vmem>> -> memref<128x128xf32, #tpu.memory_space<vmem>>
      %parallel_loop3A_382 = arith.index_cast %parallel_loop3A_360 : i32 to index
      %parallel_loop3A_383 = arith.constant 0 : index
      %parallel_loop3A_384 = tpu.vector_load %parallel_loop3A_381[%parallel_loop3A_382, %parallel_loop3A_383] {strides = array<i32>} : memref<128x128xf32, #tpu.memory_space<vmem>>, vector<1x16xf32>,
      %parallel_loop3A_385 = vector.shape_cast %parallel_loop3A_384 : vector<1x16xf32> to vector<16xf32>
      %parallel_loop3A_386 = vector.shape_cast %parallel_loop3A_377 : vector<16xf32> to vector<1x16xf32>
      tpu.vector_store %parallel_loop3A_381[%parallel_loop3A_382, %parallel_loop3A_383], %parallel_loop3A_386 {strides = array<i32>} : memref<128x128xf32, #tpu.memory_space<vmem>>, vector<1x16xf32>,
      %parallel_loop3A_387 = arith.constant 0 : i32
      %parallel_loop3A_388 = arith.constant 0 : i32
      %parallel_loop3A_389 = tpu.memref_slice %arg6[%parallel_loop3A_304, %parallel_loop3A_387, %parallel_loop3A_388] : memref<3x128x128xf32, #tpu.memory_space<vmem>> -> memref<1x128x128xf32, #tpu.memory_space<vmem>>
      %parallel_loop3A_390 = tpu.memref_squeeze %parallel_loop3A_389 : memref<1x128x128xf32, #tpu.memory_space<vmem>> -> memref<128x128xf32, #tpu.memory_space<vmem>>
      %parallel_loop3A_391 = arith.index_cast %parallel_loop3A_360 : i32 to index
      %parallel_loop3A_392 = arith.constant 16 : index
      %parallel_loop3A_393 = tpu.vector_load %parallel_loop3A_390[%parallel_loop3A_391, %parallel_loop3A_392] {strides = array<i32>} : memref<128x128xf32, #tpu.memory_space<vmem>>, vector<1x16xf32>,
      %parallel_loop3A_394 = vector.shape_cast %parallel_loop3A_393 : vector<1x16xf32> to vector<16xf32>
      %parallel_loop3A_395 = arith.constant 0 : i32
      %parallel_loop3A_396 = arith.constant 0 : i32
      %parallel_loop3A_397 = tpu.memref_slice %arg7[%parallel_loop3A_305, %parallel_loop3A_395, %parallel_loop3A_396] : memref<3x128x128xf32, #tpu.memory_space<vmem>> -> memref<1x128x128xf32, #tpu.memory_space<vmem>>
      %parallel_loop3A_398 = tpu.memref_squeeze %parallel_loop3A_397 : memref<1x128x128xf32, #tpu.memory_space<vmem>> -> memref<128x128xf32, #tpu.memory_space<vmem>>
      %parallel_loop3A_399 = arith.index_cast %parallel_loop3A_360 : i32 to index
      %parallel_loop3A_400 = arith.constant 16 : index
      %parallel_loop3A_401 = tpu.vector_load %parallel_loop3A_398[%parallel_loop3A_399, %parallel_loop3A_400] {strides = array<i32>} : memref<128x128xf32, #tpu.memory_space<vmem>>, vector<1x16xf32>,
      %parallel_loop3A_402 = vector.shape_cast %parallel_loop3A_401 : vector<1x16xf32> to vector<16xf32>
      %parallel_loop3A_403 = arith.select %eq3A_20, %parallel_loop3A_394, %parallel_loop3A_402 : vector<16xi1>, vector<16xf32>
      %parallel_loop3A_404 = arith.constant 0 : i32
      %parallel_loop3A_405 = arith.constant 0 : i32
      %parallel_loop3A_406 = tpu.memref_slice %arg7[%parallel_loop3A_305, %parallel_loop3A_404, %parallel_loop3A_405] : memref<3x128x128xf32, #tpu.memory_space<vmem>> -> memref<1x128x128xf32, #tpu.memory_space<vmem>>
      %parallel_loop3A_407 = tpu.memref_squeeze %parallel_loop3A_406 : memref<1x128x128xf32, #tpu.memory_space<vmem>> -> memref<128x128xf32, #tpu.memory_space<vmem>>
      %parallel_loop3A_408 = arith.index_cast %parallel_loop3A_360 : i32 to index
      %parallel_loop3A_409 = arith.constant 16 : index
      %parallel_loop3A_410 = tpu.vector_load %parallel_loop3A_407[%parallel_loop3A_408, %parallel_loop3A_409] {strides = array<i32>} : memref<128x128xf32, #tpu.memory_space<vmem>>, vector<1x16xf32>,
      %parallel_loop3A_411 = vector.shape_cast %parallel_loop3A_410 : vector<1x16xf32> to vector<16xf32>
      %parallel_loop3A_412 = vector.shape_cast %parallel_loop3A_403 : vector<16xf32> to vector<1x16xf32>
      tpu.vector_store %parallel_loop3A_407[%parallel_loop3A_408, %parallel_loop3A_409], %parallel_loop3A_412 {strides = array<i32>} : memref<128x128xf32, #tpu.memory_space<vmem>>, vector<1x16xf32>,
      %parallel_loop3A_413 = arith.constant 0 : i32
      %parallel_loop3A_414 = arith.constant 0 : i32
      %parallel_loop3A_415 = tpu.memref_slice %arg6[%parallel_loop3A_304, %parallel_loop3A_413, %parallel_loop3A_414] : memref<3x128x128xf32, #tpu.memory_space<vmem>> -> memref<1x128x128xf32, #tpu.memory_space<vmem>>
      %parallel_loop3A_416 = tpu.memref_squeeze %parallel_loop3A_415 : memref<1x128x128xf32, #tpu.memory_space<vmem>> -> memref<128x128xf32, #tpu.memory_space<vmem>>
      %parallel_loop3A_417 = arith.index_cast %parallel_loop3A_360 : i32 to index
      %parallel_loop3A_418 = arith.constant 32 : index
      %parallel_loop3A_419 = tpu.vector_load %parallel_loop3A_416[%parallel_loop3A_417, %parallel_loop3A_418] {strides = array<i32>} : memref<128x128xf32, #tpu.memory_space<vmem>>, vector<1x16xf32>,
      %parallel_loop3A_420 = vector.shape_cast %parallel_loop3A_419 : vector<1x16xf32> to vector<16xf32>
      %parallel_loop3A_421 = arith.constant 0 : i32
      %parallel_loop3A_422 = arith.constant 0 : i32
      %parallel_loop3A_423 = tpu.memref_slice %arg7[%parallel_loop3A_305, %parallel_loop3A_421, %parallel_loop3A_422] : memref<3x128x128xf32, #tpu.memory_space<vmem>> -> memref<1x128x128xf32, #tpu.memory_space<vmem>>
      %parallel_loop3A_424 = tpu.memref_squeeze %parallel_loop3A_423 : memref<1x128x128xf32, #tpu.memory_space<vmem>> -> memref<128x128xf32, #tpu.memory_space<vmem>>
      %parallel_loop3A_425 = arith.index_cast %parallel_loop3A_360 : i32 to index
      %parallel_loop3A_426 = arith.constant 32 : index
      %parallel_loop3A_427 = tpu.vector_load %parallel_loop3A_424[%parallel_loop3A_425, %parallel_loop3A_426] {strides = array<i32>} : memref<128x128xf32, #tpu.memory_space<vmem>>, vector<1x16xf32>,
      %parallel_loop3A_428 = vector.shape_cast %parallel_loop3A_427 : vector<1x16xf32> to vector<16xf32>
      %parallel_loop3A_429 = arith.select %eq3A_20, %parallel_loop3A_420, %parallel_loop3A_428 : vector<16xi1>, vector<16xf32>
      %parallel_loop3A_430 = arith.constant 0 : i32
      %parallel_loop3A_431 = arith.constant 0 : i32
      %parallel_loop3A_432 = tpu.memref_slice %arg7[%parallel_loop3A_305, %parallel_loop3A_430, %parallel_loop3A_431] : memref<3x128x128xf32, #tpu.memory_space<vmem>> -> memref<1x128x128xf32, #tpu.memory_space<vmem>>
      %parallel_loop3A_433 = tpu.memref_squeeze %parallel_loop3A_432 : memref<1x128x128xf32, #tpu.memory_space<vmem>> -> memref<128x128xf32, #tpu.memory_space<vmem>>
      %parallel_loop3A_434 = arith.index_cast %parallel_loop3A_360 : i32 to index
      %parallel_loop3A_435 = arith.constant 32 : index
      %parallel_loop3A_436 = tpu.vector_load %parallel_loop3A_433[%parallel_loop3A_434, %parallel_loop3A_435] {strides = array<i32>} : memref<128x128xf32, #tpu.memory_space<vmem>>, vector<1x16xf32>,
      %parallel_loop3A_437 = vector.shape_cast %parallel_loop3A_436 : vector<1x16xf32> to vector<16xf32>
      %parallel_loop3A_438 = vector.shape_cast %parallel_loop3A_429 : vector<16xf32> to vector<1x16xf32>
      tpu.vector_store %parallel_loop3A_433[%parallel_loop3A_434, %parallel_loop3A_435], %parallel_loop3A_438 {strides = array<i32>} : memref<128x128xf32, #tpu.memory_space<vmem>>, vector<1x16xf32>,
      %parallel_loop3A_439 = arith.constant 0 : i32
      %parallel_loop3A_440 = arith.constant 0 : i32
      %parallel_loop3A_441 = tpu.memref_slice %arg6[%parallel_loop3A_304, %parallel_loop3A_439, %parallel_loop3A_440] : memref<3x128x128xf32, #tpu.memory_space<vmem>> -> memref<1x128x128xf32, #tpu.memory_space<vmem>>
      %parallel_loop3A_442 = tpu.memref_squeeze %parallel_loop3A_441 : memref<1x128x128xf32, #tpu.memory_space<vmem>> -> memref<128x128xf32, #tpu.memory_space<vmem>>
      %parallel_loop3A_443 = arith.index_cast %parallel_loop3A_360 : i32 to index
      %parallel_loop3A_444 = arith.constant 48 : index
      %parallel_loop3A_445 = tpu.vector_load %parallel_loop3A_442[%parallel_loop3A_443, %parallel_loop3A_444] {strides = array<i32>} : memref<128x128xf32, #tpu.memory_space<vmem>>, vector<1x16xf32>,
      %parallel_loop3A_446 = vector.shape_cast %parallel_loop3A_445 : vector<1x16xf32> to vector<16xf32>
      %parallel_loop3A_447 = arith.constant 0 : i32
      %parallel_loop3A_448 = arith.constant 0 : i32
      %parallel_loop3A_449 = tpu.memref_slice %arg7[%parallel_loop3A_305, %parallel_loop3A_447, %parallel_loop3A_448] : memref<3x128x128xf32, #tpu.memory_space<vmem>> -> memref<1x128x128xf32, #tpu.memory_space<vmem>>
      %parallel_loop3A_450 = tpu.memref_squeeze %parallel_loop3A_449 : memref<1x128x128xf32, #tpu.memory_space<vmem>> -> memref<128x128xf32, #tpu.memory_space<vmem>>
      %parallel_loop3A_451 = arith.index_cast %parallel_loop3A_360 : i32 to index
      %parallel_loop3A_452 = arith.constant 48 : index
      %parallel_loop3A_453 = tpu.vector_load %parallel_loop3A_450[%parallel_loop3A_451, %parallel_loop3A_452] {strides = array<i32>} : memref<128x128xf32, #tpu.memory_space<vmem>>, vector<1x16xf32>,
      %parallel_loop3A_454 = vector.shape_cast %parallel_loop3A_453 : vector<1x16xf32> to vector<16xf32>
      %parallel_loop3A_455 = arith.select %eq3A_20, %parallel_loop3A_446, %parallel_loop3A_454 : vector<16xi1>, vector<16xf32>
      %parallel_loop3A_456 = arith.constant 0 : i32
      %parallel_loop3A_457 = arith.constant 0 : i32
      %parallel_loop3A_458 = tpu.memref_slice %arg7[%parallel_loop3A_305, %parallel_loop3A_456, %parallel_loop3A_457] : memref<3x128x128xf32, #tpu.memory_space<vmem>> -> memref<1x128x128xf32, #tpu.memory_space<vmem>>
      %parallel_loop3A_459 = tpu.memref_squeeze %parallel_loop3A_458 : memref<1x128x128xf32, #tpu.memory_space<vmem>> -> memref<128x128xf32, #tpu.memory_space<vmem>>
      %parallel_loop3A_460 = arith.index_cast %parallel_loop3A_360 : i32 to index
      %parallel_loop3A_461 = arith.constant 48 : index
      %parallel_loop3A_462 = tpu.vector_load %parallel_loop3A_459[%parallel_loop3A_460, %parallel_loop3A_461] {strides = array<i32>} : memref<128x128xf32, #tpu.memory_space<vmem>>, vector<1x16xf32>,
      %parallel_loop3A_463 = vector.shape_cast %parallel_loop3A_462 : vector<1x16xf32> to vector<16xf32>
      %parallel_loop3A_464 = vector.shape_cast %parallel_loop3A_455 : vector<16xf32> to vector<1x16xf32>
      tpu.vector_store %parallel_loop3A_459[%parallel_loop3A_460, %parallel_loop3A_461], %parallel_loop3A_464 {strides = array<i32>} : memref<128x128xf32, #tpu.memory_space<vmem>>, vector<1x16xf32>,
      %parallel_loop3A_465 = arith.constant 0 : i32
      %parallel_loop3A_466 = arith.constant 0 : i32
      %parallel_loop3A_467 = tpu.memref_slice %arg6[%parallel_loop3A_304, %parallel_loop3A_465, %parallel_loop3A_466] : memref<3x128x128xf32, #tpu.memory_space<vmem>> -> memref<1x128x128xf32, #tpu.memory_space<vmem>>
      %parallel_loop3A_468 = tpu.memref_squeeze %parallel_loop3A_467 : memref<1x128x128xf32, #tpu.memory_space<vmem>> -> memref<128x128xf32, #tpu.memory_space<vmem>>
      %parallel_loop3A_469 = arith.index_cast %parallel_loop3A_360 : i32 to index
      %parallel_loop3A_470 = arith.constant 64 : index
      %parallel_loop3A_471 = tpu.vector_load %parallel_loop3A_468[%parallel_loop3A_469, %parallel_loop3A_470] {strides = array<i32>} : memref<128x128xf32, #tpu.memory_space<vmem>>, vector<1x16xf32>,
      %parallel_loop3A_472 = vector.shape_cast %parallel_loop3A_471 : vector<1x16xf32> to vector<16xf32>
      %parallel_loop3A_473 = arith.constant 0 : i32
      %parallel_loop3A_474 = arith.constant 0 : i32
      %parallel_loop3A_475 = tpu.memref_slice %arg7[%parallel_loop3A_305, %parallel_loop3A_473, %parallel_loop3A_474] : memref<3x128x128xf32, #tpu.memory_space<vmem>> -> memref<1x128x128xf32, #tpu.memory_space<vmem>>
      %parallel_loop3A_476 = tpu.memref_squeeze %parallel_loop3A_475 : memref<1x128x128xf32, #tpu.memory_space<vmem>> -> memref<128x128xf32, #tpu.memory_space<vmem>>
      %parallel_loop3A_477 = arith.index_cast %parallel_loop3A_360 : i32 to index
      %parallel_loop3A_478 = arith.constant 64 : index
      %parallel_loop3A_479 = tpu.vector_load %parallel_loop3A_476[%parallel_loop3A_477, %parallel_loop3A_478] {strides = array<i32>} : memref<128x128xf32, #tpu.memory_space<vmem>>, vector<1x16xf32>,
      %parallel_loop3A_480 = vector.shape_cast %parallel_loop3A_479 : vector<1x16xf32> to vector<16xf32>
      %parallel_loop3A_481 = arith.select %eq3A_20, %parallel_loop3A_472, %parallel_loop3A_480 : vector<16xi1>, vector<16xf32>
      %parallel_loop3A_482 = arith.constant 0 : i32
      %parallel_loop3A_483 = arith.constant 0 : i32
      %parallel_loop3A_484 = tpu.memref_slice %arg7[%parallel_loop3A_305, %parallel_loop3A_482, %parallel_loop3A_483] : memref<3x128x128xf32, #tpu.memory_space<vmem>> -> memref<1x128x128xf32, #tpu.memory_space<vmem>>
      %parallel_loop3A_485 = tpu.memref_squeeze %parallel_loop3A_484 : memref<1x128x128xf32, #tpu.memory_space<vmem>> -> memref<128x128xf32, #tpu.memory_space<vmem>>
      %parallel_loop3A_486 = arith.index_cast %parallel_loop3A_360 : i32 to index
      %parallel_loop3A_487 = arith.constant 64 : index
      %parallel_loop3A_488 = tpu.vector_load %parallel_loop3A_485[%parallel_loop3A_486, %parallel_loop3A_487] {strides = array<i32>} : memref<128x128xf32, #tpu.memory_space<vmem>>, vector<1x16xf32>,
      %parallel_loop3A_489 = vector.shape_cast %parallel_loop3A_488 : vector<1x16xf32> to vector<16xf32>
      %parallel_loop3A_490 = vector.shape_cast %parallel_loop3A_481 : vector<16xf32> to vector<1x16xf32>
      tpu.vector_store %parallel_loop3A_485[%parallel_loop3A_486, %parallel_loop3A_487], %parallel_loop3A_490 {strides = array<i32>} : memref<128x128xf32, #tpu.memory_space<vmem>>, vector<1x16xf32>,
      %parallel_loop3A_491 = arith.constant 0 : i32
      %parallel_loop3A_492 = arith.constant 0 : i32
      %parallel_loop3A_493 = tpu.memref_slice %arg6[%parallel_loop3A_304, %parallel_loop3A_491, %parallel_loop3A_492] : memref<3x128x128xf32, #tpu.memory_space<vmem>> -> memref<1x128x128xf32, #tpu.memory_space<vmem>>
      %parallel_loop3A_494 = tpu.memref_squeeze %parallel_loop3A_493 : memref<1x128x128xf32, #tpu.memory_space<vmem>> -> memref<128x128xf32, #tpu.memory_space<vmem>>
      %parallel_loop3A_495 = arith.index_cast %parallel_loop3A_360 : i32 to index
      %parallel_loop3A_496 = arith.constant 80 : index
      %parallel_loop3A_497 = tpu.vector_load %parallel_loop3A_494[%parallel_loop3A_495, %parallel_loop3A_496] {strides = array<i32>} : memref<128x128xf32, #tpu.memory_space<vmem>>, vector<1x16xf32>,
      %parallel_loop3A_498 = vector.shape_cast %parallel_loop3A_497 : vector<1x16xf32> to vector<16xf32>
      %parallel_loop3A_499 = arith.constant 0 : i32
      %parallel_loop3A_500 = arith.constant 0 : i32
      %parallel_loop3A_501 = tpu.memref_slice %arg7[%parallel_loop3A_305, %parallel_loop3A_499, %parallel_loop3A_500] : memref<3x128x128xf32, #tpu.memory_space<vmem>> -> memref<1x128x128xf32, #tpu.memory_space<vmem>>
      %parallel_loop3A_502 = tpu.memref_squeeze %parallel_loop3A_501 : memref<1x128x128xf32, #tpu.memory_space<vmem>> -> memref<128x128xf32, #tpu.memory_space<vmem>>
      %parallel_loop3A_503 = arith.index_cast %parallel_loop3A_360 : i32 to index
      %parallel_loop3A_504 = arith.constant 80 : index
      %parallel_loop3A_505 = tpu.vector_load %parallel_loop3A_502[%parallel_loop3A_503, %parallel_loop3A_504] {strides = array<i32>} : memref<128x128xf32, #tpu.memory_space<vmem>>, vector<1x16xf32>,
      %parallel_loop3A_506 = vector.shape_cast %parallel_loop3A_505 : vector<1x16xf32> to vector<16xf32>
      %parallel_loop3A_507 = arith.select %eq3A_20, %parallel_loop3A_498, %parallel_loop3A_506 : vector<16xi1>, vector<16xf32>
      %parallel_loop3A_508 = arith.constant 0 : i32
      %parallel_loop3A_509 = arith.constant 0 : i32
      %parallel_loop3A_510 = tpu.memref_slice %arg7[%parallel_loop3A_305, %parallel_loop3A_508, %parallel_loop3A_509] : memref<3x128x128xf32, #tpu.memory_space<vmem>> -> memref<1x128x128xf32, #tpu.memory_space<vmem>>
      %parallel_loop3A_511 = tpu.memref_squeeze %parallel_loop3A_510 : memref<1x128x128xf32, #tpu.memory_space<vmem>> -> memref<128x128xf32, #tpu.memory_space<vmem>>
      %parallel_loop3A_512 = arith.index_cast %parallel_loop3A_360 : i32 to index
      %parallel_loop3A_513 = arith.constant 80 : index
      %parallel_loop3A_514 = tpu.vector_load %parallel_loop3A_511[%parallel_loop3A_512, %parallel_loop3A_513] {strides = array<i32>} : memref<128x128xf32, #tpu.memory_space<vmem>>, vector<1x16xf32>,
      %parallel_loop3A_515 = vector.shape_cast %parallel_loop3A_514 : vector<1x16xf32> to vector<16xf32>
      %parallel_loop3A_516 = vector.shape_cast %parallel_loop3A_507 : vector<16xf32> to vector<1x16xf32>
      tpu.vector_store %parallel_loop3A_511[%parallel_loop3A_512, %parallel_loop3A_513], %parallel_loop3A_516 {strides = array<i32>} : memref<128x128xf32, #tpu.memory_space<vmem>>, vector<1x16xf32>,
      %parallel_loop3A_517 = arith.constant 0 : i32
      %parallel_loop3A_518 = arith.constant 0 : i32
      %parallel_loop3A_519 = tpu.memref_slice %arg6[%parallel_loop3A_304, %parallel_loop3A_517, %parallel_loop3A_518] : memref<3x128x128xf32, #tpu.memory_space<vmem>> -> memref<1x128x128xf32, #tpu.memory_space<vmem>>
      %parallel_loop3A_520 = tpu.memref_squeeze %parallel_loop3A_519 : memref<1x128x128xf32, #tpu.memory_space<vmem>> -> memref<128x128xf32, #tpu.memory_space<vmem>>
      %parallel_loop3A_521 = arith.index_cast %parallel_loop3A_360 : i32 to index
      %parallel_loop3A_522 = arith.constant 96 : index
      %parallel_loop3A_523 = tpu.vector_load %parallel_loop3A_520[%parallel_loop3A_521, %parallel_loop3A_522] {strides = array<i32>} : memref<128x128xf32, #tpu.memory_space<vmem>>, vector<1x16xf32>,
      %parallel_loop3A_524 = vector.shape_cast %parallel_loop3A_523 : vector<1x16xf32> to vector<16xf32>
      %parallel_loop3A_525 = arith.constant 0 : i32
      %parallel_loop3A_526 = arith.constant 0 : i32
      %parallel_loop3A_527 = tpu.memref_slice %arg7[%parallel_loop3A_305, %parallel_loop3A_525, %parallel_loop3A_526] : memref<3x128x128xf32, #tpu.memory_space<vmem>> -> memref<1x128x128xf32, #tpu.memory_space<vmem>>
      %parallel_loop3A_528 = tpu.memref_squeeze %parallel_loop3A_527 : memref<1x128x128xf32, #tpu.memory_space<vmem>> -> memref<128x128xf32, #tpu.memory_space<vmem>>
      %parallel_loop3A_529 = arith.index_cast %parallel_loop3A_360 : i32 to index
      %parallel_loop3A_530 = arith.constant 96 : index
      %parallel_loop3A_531 = tpu.vector_load %parallel_loop3A_528[%parallel_loop3A_529, %parallel_loop3A_530] {strides = array<i32>} : memref<128x128xf32, #tpu.memory_space<vmem>>, vector<1x16xf32>,
      %parallel_loop3A_532 = vector.shape_cast %parallel_loop3A_531 : vector<1x16xf32> to vector<16xf32>
      %parallel_loop3A_533 = arith.select %eq3A_20, %parallel_loop3A_524, %parallel_loop3A_532 : vector<16xi1>, vector<16xf32>
      %parallel_loop3A_534 = arith.constant 0 : i32
      %parallel_loop3A_535 = arith.constant 0 : i32
      %parallel_loop3A_536 = tpu.memref_slice %arg7[%parallel_loop3A_305, %parallel_loop3A_534, %parallel_loop3A_535] : memref<3x128x128xf32, #tpu.memory_space<vmem>> -> memref<1x128x128xf32, #tpu.memory_space<vmem>>
      %parallel_loop3A_537 = tpu.memref_squeeze %parallel_loop3A_536 : memref<1x128x128xf32, #tpu.memory_space<vmem>> -> memref<128x128xf32, #tpu.memory_space<vmem>>
      %parallel_loop3A_538 = arith.index_cast %parallel_loop3A_360 : i32 to index
      %parallel_loop3A_539 = arith.constant 96 : index
      %parallel_loop3A_540 = tpu.vector_load %parallel_loop3A_537[%parallel_loop3A_538, %parallel_loop3A_539] {strides = array<i32>} : memref<128x128xf32, #tpu.memory_space<vmem>>, vector<1x16xf32>,
      %parallel_loop3A_541 = vector.shape_cast %parallel_loop3A_540 : vector<1x16xf32> to vector<16xf32>
      %parallel_loop3A_542 = vector.shape_cast %parallel_loop3A_533 : vector<16xf32> to vector<1x16xf32>
      tpu.vector_store %parallel_loop3A_537[%parallel_loop3A_538, %parallel_loop3A_539], %parallel_loop3A_542 {strides = array<i32>} : memref<128x128xf32, #tpu.memory_space<vmem>>, vector<1x16xf32>,
      %parallel_loop3A_543 = arith.constant 0 : i32
      %parallel_loop3A_544 = arith.constant 0 : i32
      %parallel_loop3A_545 = tpu.memref_slice %arg6[%parallel_loop3A_304, %parallel_loop3A_543, %parallel_loop3A_544] : memref<3x128x128xf32, #tpu.memory_space<vmem>> -> memref<1x128x128xf32, #tpu.memory_space<vmem>>
      %parallel_loop3A_546 = tpu.memref_squeeze %parallel_loop3A_545 : memref<1x128x128xf32, #tpu.memory_space<vmem>> -> memref<128x128xf32, #tpu.memory_space<vmem>>
      %parallel_loop3A_547 = arith.index_cast %parallel_loop3A_360 : i32 to index
      %parallel_loop3A_548 = arith.constant 112 : index
      %parallel_loop3A_549 = tpu.vector_load %parallel_loop3A_546[%parallel_loop3A_547, %parallel_loop3A_548] {strides = array<i32>} : memref<128x128xf32, #tpu.memory_space<vmem>>, vector<1x16xf32>,
      %parallel_loop3A_550 = vector.shape_cast %parallel_loop3A_549 : vector<1x16xf32> to vector<16xf32>
      %parallel_loop3A_551 = arith.constant 0 : i32
      %parallel_loop3A_552 = arith.constant 0 : i32
      %parallel_loop3A_553 = tpu.memref_slice %arg7[%parallel_loop3A_305, %parallel_loop3A_551, %parallel_loop3A_552] : memref<3x128x128xf32, #tpu.memory_space<vmem>> -> memref<1x128x128xf32, #tpu.memory_space<vmem>>
      %parallel_loop3A_554 = tpu.memref_squeeze %parallel_loop3A_553 : memref<1x128x128xf32, #tpu.memory_space<vmem>> -> memref<128x128xf32, #tpu.memory_space<vmem>>
      %parallel_loop3A_555 = arith.index_cast %parallel_loop3A_360 : i32 to index
      %parallel_loop3A_556 = arith.constant 112 : index
      %parallel_loop3A_557 = tpu.vector_load %parallel_loop3A_554[%parallel_loop3A_555, %parallel_loop3A_556] {strides = array<i32>} : memref<128x128xf32, #tpu.memory_space<vmem>>, vector<1x16xf32>,
      %parallel_loop3A_558 = vector.shape_cast %parallel_loop3A_557 : vector<1x16xf32> to vector<16xf32>
      %parallel_loop3A_559 = arith.select %eq3A_20, %parallel_loop3A_550, %parallel_loop3A_558 : vector<16xi1>, vector<16xf32>
      %parallel_loop3A_560 = arith.constant 0 : i32
      %parallel_loop3A_561 = arith.constant 0 : i32
      %parallel_loop3A_562 = tpu.memref_slice %arg7[%parallel_loop3A_305, %parallel_loop3A_560, %parallel_loop3A_561] : memref<3x128x128xf32, #tpu.memory_space<vmem>> -> memref<1x128x128xf32, #tpu.memory_space<vmem>>
      %parallel_loop3A_563 = tpu.memref_squeeze %parallel_loop3A_562 : memref<1x128x128xf32, #tpu.memory_space<vmem>> -> memref<128x128xf32, #tpu.memory_space<vmem>>
      %parallel_loop3A_564 = arith.index_cast %parallel_loop3A_360 : i32 to index
      %parallel_loop3A_565 = arith.constant 112 : index
      %parallel_loop3A_566 = tpu.vector_load %parallel_loop3A_563[%parallel_loop3A_564, %parallel_loop3A_565] {strides = array<i32>} : memref<128x128xf32, #tpu.memory_space<vmem>>, vector<1x16xf32>,
      %parallel_loop3A_567 = vector.shape_cast %parallel_loop3A_566 : vector<1x16xf32> to vector<16xf32>
      %parallel_loop3A_568 = vector.shape_cast %parallel_loop3A_559 : vector<16xf32> to vector<1x16xf32>
      tpu.vector_store %parallel_loop3A_563[%parallel_loop3A_564, %parallel_loop3A_565], %parallel_loop3A_568 {strides = array<i32>} : memref<128x128xf32, #tpu.memory_space<vmem>>, vector<1x16xf32>,
    } {sc.loop_unroll_factor = 2 : i64, sc.parallel_access}
    %add3A_306 = arith.constant 384 : i32
    %add3A_307 = arith.addi %mul3A_2, %add3A_306 : i32
    %dma_start3A_308 = arith.constant 0 : i32
    %dma_start3A_309 = arith.constant 0 : i32
    %dma_start3A_310 = arith.constant 0 : i32
    %dma_start3A_311 = tpu.memref_slice %arg7[%dma_start3A_308, %dma_start3A_309, %dma_start3A_310] : memref<3x128x128xf32, #tpu.memory_space<vmem>> -> memref<1x128x128xf32, #tpu.memory_space<vmem>>
    %dma_start3A_312 = tpu.memref_squeeze %dma_start3A_311 : memref<1x128x128xf32, #tpu.memory_space<vmem>> -> memref<128x128xf32, #tpu.memory_space<vmem>>
    %dma_start3A_313 = arith.constant 0 : i32
    %dma_start3A_314 = tpu.memref_slice %arg4[%add3A_307, %dma_start3A_313] : memref<16384x128xf32, #tpu.memory_space<hbm>> -> memref<128x128xf32, #tpu.memory_space<hbm>>
    %dma_start3A_315 = arith.constant 0 : i32
    %dma_start3A_316 = tpu.memref_slice %arg4[%add3A_307, %dma_start3A_315] : memref<16384x128xf32, #tpu.memory_space<hbm>> -> memref<128x128xf32, #tpu.memory_space<hbm>>
    %dma_start3A_317 = arith.constant 0 : i32
    %dma_start3A_318 = arith.constant 0 : i32
    %dma_start3A_319 = tpu.memref_slice %arg7[%dma_start3A_308, %dma_start3A_317, %dma_start3A_318] : memref<3x128x128xf32, #tpu.memory_space<vmem>> -> memref<1x128x128xf32, #tpu.memory_space<vmem>>
    %dma_start3A_320 = tpu.memref_squeeze %dma_start3A_319 : memref<1x128x128xf32, #tpu.memory_space<vmem>> -> memref<128x128xf32, #tpu.memory_space<vmem>>
    tpu.enqueue_dma source(%dma_start3A_320 : memref<128x128xf32, #tpu.memory_space<vmem>>) target(%dma_start3A_316 : memref<128x128xf32, #tpu.memory_space<hbm>>) target_semaphore(%arg14 : memref<!tpu.dma_semaphore, #tpu.memory_space<semaphore_mem>>)
    %dma_wait3A_321 = arith.constant 1 : i32
    %dma_wait3A_322 = arith.constant 0 : i32
    %dma_wait3A_323 = arith.constant 0 : i32
    %dma_wait3A_324 = tpu.memref_slice %arg7[%dma_wait3A_321, %dma_wait3A_322, %dma_wait3A_323] : memref<3x128x128xf32, #tpu.memory_space<vmem>> -> memref<1x128x128xf32, #tpu.memory_space<vmem>>
    %dma_wait3A_325 = tpu.memref_squeeze %dma_wait3A_324 : memref<1x128x128xf32, #tpu.memory_space<vmem>> -> memref<128x128xf32, #tpu.memory_space<vmem>>
    %dma_wait3A_326 = arith.constant 0 : i32
    %dma_wait3A_327 = tpu.memref_slice %arg4[%add3A_217, %dma_wait3A_326] : memref<16384x128xf32, #tpu.memory_space<hbm>> -> memref<128x128xf32, #tpu.memory_space<hbm>>
    %dma_wait3A_328 = arith.constant 0 : i32
    %dma_wait3A_329 = tpu.memref_slice %arg4[%add3A_217, %dma_wait3A_328] : memref<16384x128xf32, #tpu.memory_space<hbm>> -> memref<128x128xf32, #tpu.memory_space<hbm>>
    %dma_wait3A_330 = arith.constant 0 : i32
    %dma_wait3A_331 = arith.constant 0 : i32
    %dma_wait3A_332 = tpu.memref_slice %arg7[%dma_wait3A_321, %dma_wait3A_330, %dma_wait3A_331] : memref<3x128x128xf32, #tpu.memory_space<vmem>> -> memref<1x128x128xf32, #tpu.memory_space<vmem>>
    %dma_wait3A_333 = tpu.memref_squeeze %dma_wait3A_332 : memref<1x128x128xf32, #tpu.memory_space<vmem>> -> memref<128x128xf32, #tpu.memory_space<vmem>>
    tpu.wait_dma2 semaphore(%arg15 : memref<!tpu.dma_semaphore, #tpu.memory_space<semaphore_mem>>) src(%dma_wait3A_333 : memref<128x128xf32, #tpu.memory_space<vmem>>) dst(%dma_wait3A_329 : memref<128x128xf32, #tpu.memory_space<hbm>>)
    %dma_wait3A_334 = arith.constant 2 : i32
    %dma_wait3A_335 = arith.constant 0 : i32
    %dma_wait3A_336 = arith.constant 0 : i32
    %dma_wait3A_337 = tpu.memref_slice %arg7[%dma_wait3A_334, %dma_wait3A_335, %dma_wait3A_336] : memref<3x128x128xf32, #tpu.memory_space<vmem>> -> memref<1x128x128xf32, #tpu.memory_space<vmem>>
    %dma_wait3A_338 = tpu.memref_squeeze %dma_wait3A_337 : memref<1x128x128xf32, #tpu.memory_space<vmem>> -> memref<128x128xf32, #tpu.memory_space<vmem>>
    %dma_wait3A_339 = arith.constant 0 : i32
    %dma_wait3A_340 = tpu.memref_slice %arg4[%add3A_262, %dma_wait3A_339] : memref<16384x128xf32, #tpu.memory_space<hbm>> -> memref<128x128xf32, #tpu.memory_space<hbm>>
    %dma_wait3A_341 = arith.constant 0 : i32
    %dma_wait3A_342 = tpu.memref_slice %arg4[%add3A_262, %dma_wait3A_341] : memref<16384x128xf32, #tpu.memory_space<hbm>> -> memref<128x128xf32, #tpu.memory_space<hbm>>
    %dma_wait3A_343 = arith.constant 0 : i32
    %dma_wait3A_344 = arith.constant 0 : i32
    %dma_wait3A_345 = tpu.memref_slice %arg7[%dma_wait3A_334, %dma_wait3A_343, %dma_wait3A_344] : memref<3x128x128xf32, #tpu.memory_space<vmem>> -> memref<1x128x128xf32, #tpu.memory_space<vmem>>
    %dma_wait3A_346 = tpu.memref_squeeze %dma_wait3A_345 : memref<1x128x128xf32, #tpu.memory_space<vmem>> -> memref<128x128xf32, #tpu.memory_space<vmem>>
    tpu.wait_dma2 semaphore(%arg16 : memref<!tpu.dma_semaphore, #tpu.memory_space<semaphore_mem>>) src(%dma_wait3A_346 : memref<128x128xf32, #tpu.memory_space<vmem>>) dst(%dma_wait3A_342 : memref<128x128xf32, #tpu.memory_space<hbm>>)
    %dma_wait3A_347 = arith.constant 0 : i32
    %dma_wait3A_348 = arith.constant 0 : i32
    %dma_wait3A_349 = arith.constant 0 : i32
    %dma_wait3A_350 = tpu.memref_slice %arg7[%dma_wait3A_347, %dma_wait3A_348, %dma_wait3A_349] : memref<3x128x128xf32, #tpu.memory_space<vmem>> -> memref<1x128x128xf32, #tpu.memory_space<vmem>>
    %dma_wait3A_351 = tpu.memref_squeeze %dma_wait3A_350 : memref<1x128x128xf32, #tpu.memory_space<vmem>> -> memref<128x128xf32, #tpu.memory_space<vmem>>
    %dma_wait3A_352 = arith.constant 0 : i32
    %dma_wait3A_353 = tpu.memref_slice %arg4[%add3A_307, %dma_wait3A_352] : memref<16384x128xf32, #tpu.memory_space<hbm>> -> memref<128x128xf32, #tpu.memory_space<hbm>>
    %dma_wait3A_354 = arith.constant 0 : i32
    %dma_wait3A_355 = tpu.memref_slice %arg4[%add3A_307, %dma_wait3A_354] : memref<16384x128xf32, #tpu.memory_space<hbm>> -> memref<128x128xf32, #tpu.memory_space<hbm>>
    %dma_wait3A_356 = arith.constant 0 : i32
    %dma_wait3A_357 = arith.constant 0 : i32
    %dma_wait3A_358 = tpu.memref_slice %arg7[%dma_wait3A_347, %dma_wait3A_356, %dma_wait3A_357] : memref<3x128x128xf32, #tpu.memory_space<vmem>> -> memref<1x128x128xf32, #tpu.memory_space<vmem>>
    %dma_wait3A_359 = tpu.memref_squeeze %dma_wait3A_358 : memref<1x128x128xf32, #tpu.memory_space<vmem>> -> memref<128x128xf32, #tpu.memory_space<vmem>>
    tpu.wait_dma2 semaphore(%arg14 : memref<!tpu.dma_semaphore, #tpu.memory_space<semaphore_mem>>) src(%dma_wait3A_359 : memref<128x128xf32, #tpu.memory_space<vmem>>) dst(%dma_wait3A_355 : memref<128x128xf32, #tpu.memory_space<hbm>>)
    return
  }
}

</mosaic_0001>

<sc_bundles>
// kernel: kernel.3.cloned.1.call-start
scs
__scs_entry_jumppad:
0x0: {  	(pc) =	sbr.rel $0x88, $3  }
0x1: {  	(tag) =	ssettag $0x0;
	lr =	simm.s32 $0x1  }
0x2: {  	[smem:$0x3FA0] =	sst lr;
	_ =	strace $0xD0000000  }
0x3: {  	_ = 	snop  }
0x4: {  	_ = 	snop  }
0x5: {  	_ = 	snop  }
0x6: {  	_ = 	snop  }
0x7: {  	_ = 	snop  }
__scs_overlays_trampoline_lowered:
0x8: {  	[smem:$0x3FAF] =	sst s0  }
0x9: {  	[smem:$0x3FB0] =	sst s1  }
0xa: {  	[smem:$0x3FB1] =	sst s2  }
0xb: {  	[smem:$0x3FB2] =	sst s3  }
0xc: {  	[smem:$0x3FB3] =	sst s4  }
0xd: {  	[smem:$0x3FB4] =	sst s5  }
0xe: {  	[smem:$0x3FB5] =	sst s6  }
0xf: {  	[smem:$0x3FB6] =	sst s7  }
0x10: {  	[smem:$0x3FB7] =	sst s8  }
0x11: {  	[smem:$0x3FB8] =	sst s9;
	s0 =	simm.s32 @!p0 $0x0  }
0x12: {  	s1 =	sld [smem:$0x3F9E];
	s0 =	simm.s32 @p0 $0x1  }
0x13: {  	[smem:$0x3FB9] =	sst s0;
	s0 =	simm.s32 @!p1 $0x0  }
0x14: {  	s2 =	sld [smem:$0x3F9D];
	s0 =	simm.s32 @p1 $0x1  }
0x15: {  	[smem:$0x3FBA] =	sst s0;
	s0 =	simm.s32 @!p2 $0x0  }
0x16: {  	s3 =	sld [smem:$0x3FDB];
	s0 =	simm.s32 @p2 $0x1  }
0x17: {  	s4 =	simm.s32 $0x1BF5;
	[smem:$0x3FBC] =	sst s0  }
0x18: {  	s0 =	sld [smem:$0x3F9F];
	_ =	swait.ge [sflag:s4], $0x0  }
0x19: {  	s7 =	sld [smem:$0x3FA0]  }
0x1a: {  	s8 =	sadd.s32 $0xFFFFE003, lr  }
0x1b: {  	s9 =	sadd.s32 $0xFFFFFEF7, lr;
	s5 =	simm.s32 $0xFFFFFFFF;
	p2 =	slt.u32 s8, $0xFFFFF086  }
0x1c: {  	p1 =	slt.u32 s9, $0xF7A;
	s5 =	simm.s32 @!p2 $0x0  }
0x1d: {  	s5 =	simm.s32 @p1 $0x1;
	p0 =	seq.s32 s7, s2  }
0x1e: {  	s7 =	smul.u32 @!p0 $0xF7A, s2;
	p2 =	seq.s32 @!p0 s5, $0x0  }
0x1f: {  	s9 =	smul.u32 $0xF7A, s1;
	s8 =	simm.s32 @!p0 $0x1BF5;
	p2 =	por !p2, p0  }
0x20: {  	[sflag:s8] =	ssyncset.s32 @!p0 $0xFFFFF086;
	s6 =	sadd.s32 @!p0 s3, s7;
	s7 =	simm.s32 @!p0 $0x108  }
0x21: {  	s3 =	sadd.s32 s3, s9;
	s6 =	sadd.s32 @!p0 $0x88, s6;
	s7 =	simm.s32 @p2 $0x1082  }
0x22: {  	[simem:s7], [sflag:s8] =	dma.local @!p0 [hbm:s6], $0xF7A  }
0x23: {  	s9 =	sor.u32 $0xD0000000, s2;
	s6 =	simm.s32 $0x108;
	_ =	swait.ge @!p0 [sflag:s8], $0x0  }
0x24: {  	s3 =	sadd.s32 $0x88, s3;
	s6 =	simm.s32 @!p1 $0x1082;
	[sflag:s4] =	ssyncset.s32 $0xFFFFF086  }
0x25: {  	[simem:s6], [sflag:s4] =	dma.local [hbm:s3], $0xF7A  }
0x26: {  	[smem:$0x3FA0] =	sst s1;
	(tag) =	ssettag s2;
	_ =	strace s9  }
0x27: {  	s1 =	sld [smem:$0x3FB0]  }
0x28: {  	s2 =	sld [smem:$0x3FB1]  }
0x29: {  	s4 =	sld [smem:$0x3FB3]  }
0x2a: {  	p0 =	seq.s32 s5, $0x0;
	s5 =	sld [smem:$0x3FB4]  }
0x2b: {  	s6 =	sld [smem:$0x3FB5]  }
0x2c: {  	s7 =	sld [smem:$0x3FB6]  }
0x2d: {  	s3 =	simm.s32 $0x108;
	s8 =	sld [smem:$0x3FB7]  }
0x2e: {  	s3 =	simm.s32 @!p0 $0x1082;
	s9 =	sld [smem:$0x3FB8]  }
0x2f: {  	lr =	sadd.s32 s0, s3;
	s0 =	sld [smem:$0x3FAF]  }
0x30: {  	s3 =	sld [smem:$0x3FB2]  }
0x31: {  	[smem:$0x3FBB] =	sst s10  }
0x32: {  	s10 =	sld [smem:$0x3FB9];
	_ =	sdelay $0x3  }
0x33: {  	p0 =	seq.s32 s10, $0x1;
	s10 =	sld [smem:$0x3FBB];
	_ =	sdelay $0x3  }
0x34: {  	[smem:$0x3FBB] =	sst s10  }
0x35: {  	s10 =	sld [smem:$0x3FBA];
	_ =	sdelay $0x3  }
0x36: {  	p1 =	seq.s32 s10, $0x1;
	s10 =	sld [smem:$0x3FBB];
	_ =	sdelay $0x3  }
0x37: {  	[smem:$0x3FBB] =	sst s10  }
0x38: {  	s10 =	sld [smem:$0x3FBC]  }
0x39: {  	_ = 	snop;
	(pc) =	sbr.ind lr, $3  }
0x3a: {  	_ = 	snop  }
0x3b: {  	_ = 	snop  }
0x3c: {  	p2 =	seq.s32 s10, $0x1;
	s10 =	sld [smem:$0x3FBB]  }
0x3d: {  	_ =	shalt  }
0x3e: {  	_ =	shalt  }
0x3f: {  	_ =	shalt  }
0x40: {  	_ =	shalt  }
0x41: {  	_ =	shalt  }
0x42: {  	_ =	shalt  }
0x43: {  	_ =	shalt  }
0x44: {  	_ =	shalt  }
0x45: {  	_ =	shalt  }
0x46: {  	_ =	shalt  }
0x47: {  	_ =	shalt  }
0x48: {  	_ =	shalt  }
0x49: {  	_ =	shalt  }
0x4a: {  	_ =	shalt  }
0x4b: {  	_ =	shalt  }
0x4c: {  	_ =	shalt  }
0x4d: {  	_ =	shalt  }
0x4e: {  	_ =	shalt  }
0x4f: {  	_ =	shalt  }
0x50: {  	_ =	shalt  }
0x51: {  	_ =	shalt  }
0x52: {  	_ =	shalt  }
0x53: {  	_ =	shalt  }
0x54: {  	_ =	shalt  }
0x55: {  	_ =	shalt  }
0x56: {  	_ =	shalt  }
0x57: {  	_ =	shalt  }
0x58: {  	_ =	shalt  }
0x59: {  	_ =	shalt  }
0x5a: {  	_ =	shalt  }
0x5b: {  	_ =	shalt  }
0x5c: {  	_ =	shalt  }
0x5d: {  	_ =	shalt  }
0x5e: {  	_ =	shalt  }
0x5f: {  	_ =	shalt  }
0x60: {  	_ =	shalt  }
0x61: {  	_ =	shalt  }
0x62: {  	_ =	shalt  }
0x63: {  	_ =	shalt  }
0x64: {  	_ =	shalt  }
0x65: {  	_ =	shalt  }
0x66: {  	_ =	shalt  }
0x67: {  	_ =	shalt  }
0x68: {  	_ =	shalt  }
0x69: {  	_ =	shalt  }
0x6a: {  	_ =	shalt  }
0x6b: {  	_ =	shalt  }
0x6c: {  	_ =	shalt  }
0x6d: {  	_ =	shalt  }
0x6e: {  	_ =	shalt  }
0x6f: {  	_ =	shalt  }
0x70: {  	_ =	shalt  }
0x71: {  	_ =	shalt  }
0x72: {  	_ =	shalt  }
0x73: {  	_ =	shalt  }
0x74: {  	_ =	shalt  }
0x75: {  	_ =	shalt  }
0x76: {  	_ =	shalt  }
0x77: {  	_ =	shalt  }
0x78: {  	_ =	shalt  }
0x79: {  	_ =	shalt  }
0x7a: {  	_ =	shalt  }
0x7b: {  	_ =	shalt  }
0x7c: {  	_ =	shalt  }
0x7d: {  	_ =	shalt  }
0x7e: {  	_ =	shalt  }
0x7f: {  	_ =	shalt  }
0x80: {  	_ =	shalt  }
0x81: {  	_ =	shalt  }
0x82: {  	_ =	shalt  }
0x83: {  	_ =	shalt  }
0x84: {  	_ =	shalt  }
0x85: {  	_ =	shalt  }
0x86: {  	_ =	shalt  }
0x87: {  	_ =	shalt  }
.Lfunc_end0:
.L_simem_size_0:
called_computation_lowered:
.L_overlay_start_0:
0x88: {  	s2 =	sld [smem:$0x3FD9]  }
0x89: {  	s3 =	sld [smem:$0x3FFE];
	_ =	sdelay $0x1  }
0x8a: {  	s1 =	srdreg.scid  }
0x8b: {  	s0 =	sand.u32 $0x1, s1  }
0x8c: {  	s17 =	sshll.u32 s0, $0xA;
	s2 =	sadd.s32 s3, s2  }
0x8d: {  	s2 =	sadd.s32 s2, s17  }
0x8e: {  	[smem:$0x3FC7] =	sst s2  }
0x8f: {  	_ = 	snop  }
0x90: {  	s2 =	sld [smem:$0x3FC9]  }
0x91: {  	s18 =	sld [smem:$0x3FD0];
	(tm) =	ssettm $0x1  }
0x92: {  	s4 =	sld [smem:$0x3FFB];
	_ =	sdelay $0x3  }
0x93: {  	_ =	strace s4  }
0x94: {  	s4 =	sld [smem:$0x3FFC];
	_ =	sdelay $0x3  }
0x95: {  	_ =	strace s4  }
0x96: {  	s4 =	sld [smem:$0x3FFD];
	_ =	sdelay $0x3  }
0x97: {  	_ =	strace s4  }
0x98: {  	_ =	strace $0x8FFFFFFF  }
0x99: {  	s19 =	sld [smem:$0x3FDB];
	_ =	sdelay $0x1  }
0x9a: {  	s5 =	simm.s32 $_scs_section_size  }
0x9b: {  	s6 =	simm.s32 $_size__tile_overlayer_lowered;
	s7 =	simm.s32 $_tile_overlayer_lowered  }
0x9c: {  	s22 =	simm.s32 $0x1BFF;
	s21 =	sshll.u32 s7, $0x1;
	s4 =	sadd.s32 s5, s19  }
0x9d: {  	s8 =	simm.s32 $0x0;
	s20 =	sshll.u32 s6, $0x1;
	s6 =	sadd.s32 s21, s4  }
0x9e: {  	[timem:s8], [sflag:s22] =	dma.local [hbm:s6], s20  }
0x9f: {  	_ =	swait.ge [sflag:s22], s20  }
0xa0: {  	s5 =	ssub.s32 $0x0, s20;
	[sflag:s22] =	ssyncset.done $0x0  }
0xa1: {  	[sflag:s22] =	ssyncadd.s32 s5;
	_ =	sdelay $0x1  }
0xa2: {  	s23 =	simm.s32 $0x1B8B  }
0xa3: {  	_ =	swait.ge [sflag:s23], $0x1  }
0xa4: {  	[sflag:s23] =	ssyncset.done $0x0  }
0xa5: {  	s25 =	simm.s32 $0x1B8E;
	s24 =	sld [smem:$0x3FFE];
	[sflag:s23] =	ssyncadd.s32 $0xFFFFFFFF  }
0xa6: {  	s26 =	simm.s32 $execute0_lowered;
	[smem:$0x3FD2] =	sst s25  }
0xa7: {  	s6 =	sshll.u32 s26, $0x1;
	_ =	strace $0x80000046;
	[dreg:$0x1] =	wrdreg $0xFFFFFFFF  }
0xa8: {  	s28 =	simm.s32 $_size_execute0_lowered;
	s4 =	sadd.s32 s4, s6;
	[dreg:$0x0] =	wrdreg $0x0  }
0xa9: {  	s6 =	sshll.u32 s28, $0x1;
	[dreg:$0x2] =	wrdreg s4  }
0xaa: {  	[dreg:$0x3] =	wrdreg s6  }
0xab: {  	[dreg:$0x4] =	wrdreg $0xC0  }
0xac: {  	_ =	task [dreg:s8], $0x5FFFF  }
0xad: {  	[dreg:$0x1] =	wrdreg $0xFFFFFFFF  }
0xae: {  	[dreg:$0x0] =	wrdreg $0x60  }
0xaf: {  	[dreg:$0x2] =	wrdreg s2  }
0xb0: {  	[dreg:$0x3] =	wrdreg s24  }
0xb1: {  	[dreg:$0x4] =	wrdreg s18  }
0xb2: {  	[dreg:$0x5] =	wrdreg $0x9  }
0xb3: {  	_ =	task.clear_ibuf [dreg:s8], $0x6FFFF;
	_ =	strace $0x90000046  }
0xb4: {  	s29 =	simm.s32 $0x9;
	_ =	strace $0x80000048  }
0xb5: {  	_ =	swait.ge [sflag:s29], $0x1  }
0xb6: {  	[sflag:s29] =	ssyncadd.s32 $0xFFFFFFFF  }
0xb7: {  	_ =	strace $0x90000048  }
0xb8: {  	_ =	sfence  }
0xb9: {  	s30 =	sld [smem:$0x0];
	_ =	sdelay $0x2  }
0xba: {  	s31 =	sshll.u32 s1, $0xD;
	s1 =	sshrl.u32 s1, $0x2  }
0xbb: {  	s3 =	sand.u32 $0x4000, s31;
	s1 =	sadd.s32 s1, s30  }
0xbc: {  	s0 =	sor.u32 s3, s0;
	s1 =	sshll.u32 s1, $0x11  }
0xbd: {  	s0 =	sor.u32 s1, s0  }
0xbe: {  	s0 =	sadd.s32 $0x8F2B, s0  }
0xbf: {  	[sflag:s0] =	ssyncadd.remote.s32 $0x1  }
0xc0: {  	_ =	sfence.sel $0xFFFF  }
0xc1: {  	[dreg:$0x0] =	wrdreg $0xFFFFFFFF;
	(pc) =	sbr.abs _section_cstart, $3  }
0xc2: {  	[dreg:$0x1] =	wrdreg $0xFFFFFFFF  }
0xc3: {  	_ =	task.clear_ibuf [dreg:s8], $0x2FFFF;
	_ =	strace $0x9FFFFFFF  }
0xc4: {  	(tm) =	ssettm $0x7FFFFFFF  }
0xc5: {  	_ =	shalt  }
tec
execute0_lowered:
.L_overlay_start_1:
0x0: {  	(tag) =	ssettag $0x1  }
0x1: {  	s1 =	rddreg [dreg:$0x0]  }
0x2: {  	s0 =	rddreg [dreg:$0x1]  }
0x3: {  	s3 =	rddreg [dreg:$0x2]  }
0x4: {  	s2 =	simm.s32 $0x0;
	s4 =	srdreg.scid;
	s8 =	stileid.u32  }
0x5: {  	s14 =	simm.s32 $0xA;
	s15 =	simm.s32 $0x80;
	s17 =	simm.s32 $0xC200  }
0x6: {  	s19 =	simm.s32 $0x10200;
	s28 =	simm.s32 $0x2;
	s29 =	simm.s32 $0x5  }
0x7: {  	s30 =	simm.s32 $0x3;
	s31 =	simm.s32 $0x6;
	s18 =	simm.s32 $0x0  }
0x8: {  	[smem:$0x7FF] =	sst s2;
	s4 =	sand.u32 $0x1, s4;
	s7 =	sshll.u32 s8, $0x7  }
0x9: {  	s8 =	sshll.u32 s8, $0xE;
	_ =	strace $0x80000047;
	s6 =	ssub.s32 $0x2, s4  }
0xa: {  	s5 =	sshll.u32 s4, $0x6;
	s4 =	sshll.u32 s4, $0xD;
	s20 =	sshrl.u32 s6, $0x1  }
0xb: {  	s0 =	sadd.s32 s5, s0;
	s4 =	sor.u32 s4, s8;
	s5 =	ssub.s32 s6, s20  }
0xc: {  	vm0 =	vcmask $0xB08;
	vm1 =	vcmask $0x300;
	s0 =	sadd.s32 s7, s0;
	s21 =	sadd.s32 s1, s4;
	s22 =	sor.u32 $0x800, s4  }
0xd: {  	vm0 =	vmor vm1, vm0;
	vm1 =	vcmask $0x1310;
	s24 =	sor.u32 $0x1000, s4;
	s25 =	sor.u32 $0x1800, s4;
	s8 =	sadd.s32 s3, s4  }
0xe: {  	vm0 =	vmor vm0, vm1;
	vm1 =	vcmask $0x1B18;
	s0 =	sadd.s32 $0x400, s0;
	[dreg:$0x5] =	wrdreg s21;
	s23 =	sadd.s32 s1, s22  }
0xf: {  	vm0 =	vmor vm0, vm1;
	vm1 =	vcmask $0x2320;
	s26 =	sadd.s32 s1, s24;
	s9 =	sadd.s32 s1, s25;
	s10 =	sadd.s32 s3, s22  }
0x10: {  	vm0 =	vmor vm0, vm1;
	vm1 =	vcmask $0x2B28;
	s11 =	sadd.s32 s3, s24;
	s12 =	sadd.s32 s3, s25;
	s13 =	smax.u32 s5, $0x1  }
0x11: {  	s22 =	simm.s32 $0x14200;
	s24 =	simm.s32 $0x4;
	vm0 =	vmor vm0, vm1;
	vm1 =	vcmask $0x3330;
	[dreg:$0x4] =	wrdreg s0  }
0x12: {  	s25 =	simm.s32 $0x7;
	s3 =	simm.s32 $0x9;
	[dreg:$0x6] =	wrdreg s23;
	vm0 =	vmor vm0, vm1;
	vm1 =	vcmask $0x3B38  }
0x13: {  	[dreg:$0x7] =	wrdreg s26;
	s23 =	simm.s32 $0x1;
	s0 =	simm.s32 $0x8;
	vm0 =	vmor vm0, vm1  }
.LBB2_1:
0x14: {  	s4 =	rddreg [dreg:$0x4]  }
0x15: {  	[tilespmem:s2], [sflag:$0xA] =	stream.linear.gather [hbm4b:s4+s2], $0x200, $0x38;
	[tilespmem:$0x18200] =	vst v63  }
0x16: {  	_ =	swait.ge [sflag:s14], $0x200  }
0x17: {  	[sflag:s14] =	ssyncset.done $0x0  }
0x18: {  	s6 =	simm.s32 $0x200;
	[sflag:s14] =	ssyncadd.s32 $0xFFFFFE00  }
0x19: {  	[tilespmem:s6], [sflag:$0x1] =	stream.indirect.gather [hbm4b:s1+s15], $0x80, s2, s15, $0xb8;
	[tilespmem:$0x18200] =	vst v63  }
0x1a: {  	s7 =	rddreg [dreg:$0x5]  }
0x1b: {  	[tilespmem:s17], [sflag:$0x4] =	stream.linear.gather [hbm4b:s7+s2], $0x4000, $0x38;
	[tilespmem:$0x18200] =	vst v63  }
0x1c: {  	s16 =	simm.s32 $0x4200  }
0x1d: {  	[tilespmem:s16], [sflag:$0x2] =	stream.indirect.gather [hbm4b:s1+s15], $0x80, s15, s15, $0xb8;
	[tilespmem:$0x18200] =	vst v63  }
0x1e: {  	s20 =	rddreg [dreg:$0x6]  }
0x1f: {  	[tilespmem:s19], [sflag:$0x5] =	stream.linear.gather [hbm4b:s20+s2], $0x4000, $0x38;
	[tilespmem:$0x18200] =	vst v63  }
0x20: {  	s21 =	simm.s32 $0x100;
	s5 =	simm.s32 $0x8200  }
0x21: {  	[tilespmem:s5], [sflag:$0x3] =	stream.indirect.gather [hbm4b:s1+s15], $0x80, s21, s15, $0xb8;
	[tilespmem:$0x18200] =	vst v63  }
0x22: {  	s26 =	rddreg [dreg:$0x7]  }
0x23: {  	[tilespmem:s22], [sflag:$0x6] =	stream.linear.gather [hbm4b:s26+s2], $0x4000, $0x38;
	[tilespmem:$0x18200] =	vst v63  }
0x24: {  	_ =	swait.ge [sflag:s23], $0x4000  }
0x25: {  	[sflag:s23] =	ssyncset.done $0x0  }
0x26: {  	[sflag:s23] =	ssyncadd.s32 $0xFFFFC000  }
0x27: {  	_ =	swait.ge [sflag:s24], $0x4000  }
0x28: {  	[sflag:s24] =	ssyncset.done $0x0  }
0x29: {  	s16 =	simm.s32 $0x280;
	[sflag:s24] =	ssyncadd.s32 $0xFFFFC000  }
0x2a: {  	s20 =	simm.s32 $0xC280;
	v0 =	vld [tilespmem:s16+$0x0]  }
0x2b: {  	v1 =	vld [tilespmem:s20+$0x0];
	_ =	sdelay $0x4  }
0x2c: {  	v0 =	vsel vm0, v0, v1  }
0x2d: {  	[tilespmem:s20+$0x0] =	vst v0;
	v0 =	vld [tilespmem:s20+$0x10]  }
0x2e: {  	v1 =	vld [tilespmem:s16+$0x10];
	_ =	sdelay $0x1  }
0x2f: {  	v2 =	vld [tilespmem:s20+$0xFFFFFF80]  }
0x30: {  	v3 =	vld [tilespmem:s16+$0xFFFFFF80]  }
0x31: {  	v4 =	vld [tilespmem:s20+$0xFFFFFF90]  }
0x32: {  	v5 =	vld [tilespmem:s20+$0xFFFFFFA0];
	v0 =	vsel vm0, v1, v0  }
0x33: {  	[tilespmem:s20+$0x10] =	vst v0;
	v0 =	vld [tilespmem:s20+$0x20]  }
0x34: {  	v1 =	vld [tilespmem:s16+$0x20]  }
0x35: {  	v6 =	vld [tilespmem:s20+$0xFFFFFFC0];
	v2 =	vsel vm0, v3, v2  }
0x36: {  	v8 =	vld [tilespmem:s20+$0xFFFFFFE0];
	[tilespmem:s20+$0xFFFFFF80] =	vst v2  }
0x37: {  	s21 =	simm.s32 $0xC380;
	v2 =	vld [tilespmem:s16+$0xFFFFFF90]  }
0x38: {  	s26 =	simm.s32 $0x380;
	v9 =	vld [tilespmem:s21+$0xFFFFFF80]  }
0x39: {  	v10 =	vld [tilespmem:s26+$0xFFFFFF80];
	v0 =	vsel vm0, v1, v0  }
0x3a: {  	[tilespmem:s20+$0x20] =	vst v0;
	v0 =	vld [tilespmem:s20+$0x30]  }
0x3b: {  	v1 =	vld [tilespmem:s16+$0x30]  }
0x3c: {  	v11 =	vld [tilespmem:s21+$0xFFFFFFA0];
	v2 =	vsel vm0, v2, v4  }
0x3d: {  	v12 =	vld [tilespmem:s20+$0x60];
	[tilespmem:s20+$0xFFFFFF90] =	vst v2  }
0x3e: {  	v2 =	vld [tilespmem:s16+$0xFFFFFFA0]  }
0x3f: {  	v4 =	vld [tilespmem:s26+$0x0]  }
0x40: {  	v0 =	vsel vm0, v1, v0;
	v1 =	vld [tilespmem:s21+$0x0]  }
0x41: {  	[tilespmem:s20+$0x30] =	vst v0;
	v0 =	vld [tilespmem:s20+$0x40]  }
0x42: {  	v7 =	vld [tilespmem:s16+$0x40]  }
0x43: {  	v13 =	vld [tilespmem:s21+$0xFFFFFFD0];
	v2 =	vsel vm0, v2, v5  }
0x44: {  	v3 =	vld [tilespmem:s20+$0xFFFFFFB0];
	[tilespmem:s20+$0xFFFFFFA0] =	vst v2  }
0x45: {  	v1 =	vsel vm0, v4, v1;
	v4 =	vld [tilespmem:s16+$0xFFFFFFB0]  }
0x46: {  	[tilespmem:s21+$0x0] =	vst v1;
	v1 =	vld [tilespmem:s21+$0x10]  }
0x47: {  	v0 =	vsel vm0, v7, v0;
	v2 =	vld [tilespmem:s26+$0x10]  }
0x48: {  	[tilespmem:s20+$0x40] =	vst v0;
	v0 =	vld [tilespmem:s20+$0x50]  }
0x49: {  	s4 =	simm.s32 $0xC480;
	v7 =	vld [tilespmem:s16+$0x50]  }
0x4a: {  	v16 =	vld [tilespmem:s4+$0x10];
	v9 =	vsel vm0, v10, v9  }
0x4b: {  	v59 =	vld [tilespmem:s4+$0xFFFFFF90];
	[tilespmem:s21+$0xFFFFFF80] =	vst v9;
	v3 =	vsel vm0, v4, v3  }
0x4c: {  	[tilespmem:s20+$0xFFFFFFB0] =	vst v3;
	v3 =	vld [tilespmem:s26+$0xFFFFFF90];
	v1 =	vsel vm0, v2, v1  }
0x4d: {  	[tilespmem:s21+$0x10] =	vst v1;
	v1 =	vld [tilespmem:s21+$0x20]  }
0x4e: {  	v0 =	vsel vm0, v7, v0;
	v7 =	vld [tilespmem:s26+$0x20]  }
0x4f: {  	v2 =	vld [tilespmem:s21+$0xFFFFFF90]  }
0x50: {  	v18 =	vld [tilespmem:s4+$0xFFFFFFA0]  }
0x51: {  	v61 =	vld [tilespmem:s21+$0x70]  }
0x52: {  	v5 =	vld [tilespmem:s20+$0xFFFFFFD0]  }
0x53: {  	v4 =	vld [tilespmem:s16+$0xFFFFFFC0];
	v1 =	vsel vm0, v7, v1  }
0x54: {  	v2 =	vsel vm0, v3, v2;
	[tilespmem:s21+$0x20] =	vst v1;
	v1 =	vld [tilespmem:s21+$0x30]  }
0x55: {  	[tilespmem:s21+$0xFFFFFF90] =	vst v2;
	v9 =	vld [tilespmem:s26+$0x30]  }
0x56: {  	v2 =	vld [tilespmem:s26+$0xFFFFFFA0]  }
0x57: {  	[tilespmem:s20+$0x50] =	vst v0;
	v0 =	vld [tilespmem:s20+$0xFFFFFFF0]  }
0x58: {  	v10 =	vld [tilespmem:s16+$0x60]  }
0x59: {  	v3 =	vsel vm0, v4, v6;
	v6 =	vld [tilespmem:s21+$0xFFFFFFC0]  }
0x5a: {  	s5 =	simm.s32 $0x480;
	v4 =	vld [tilespmem:s21+$0x40];
	v1 =	vsel vm0, v9, v1  }
0x5b: {  	[tilespmem:s21+$0x30] =	vst v1;
	v1 =	vsel vm0, v2, v11;
	v2 =	vld [tilespmem:s5+$0x0]  }
0x5c: {  	v11 =	vld [tilespmem:s4+$0x0]  }
0x5d: {  	[tilespmem:s20+$0xFFFFFFC0] =	vst v3;
	v9 =	vld [tilespmem:s26+$0x40]  }
0x5e: {  	v3 =	vld [tilespmem:s16+$0xFFFFFFD0]  }
0x5f: {  	v7 =	vsel vm0, v10, v12;
	v10 =	vld [tilespmem:s21+$0xFFFFFFB0]  }
0x60: {  	[tilespmem:s20+$0x60] =	vst v7;
	v7 =	vld [tilespmem:s20+$0x70]  }
0x61: {  	v58 =	vld [tilespmem:s16+$0x70]  }
0x62: {  	v2 =	vsel vm0, v2, v11;
	v11 =	vld [tilespmem:s5+$0xFFFFFF80];
	v4 =	vsel vm0, v9, v4  }
0x63: {  	[tilespmem:s21+$0x40] =	vst v4;
	v4 =	vld [tilespmem:s21+$0x50]  }
0x64: {  	v15 =	vld [tilespmem:s26+$0x50]  }
0x65: {  	v9 =	vld [tilespmem:s4+$0xFFFFFF80];
	[tilespmem:s4+$0x0] =	vst v2  }
0x66: {  	v3 =	vsel vm0, v3, v5;
	v17 =	vld [tilespmem:s5+$0x10]  }
0x67: {  	v5 =	vld [tilespmem:s4+$0x20];
	[tilespmem:s20+$0xFFFFFFD0] =	vst v3  }
0x68: {  	v60 =	vld [tilespmem:s16+$0xFFFFFFE0];
	[tilespmem:s21+$0xFFFFFFA0] =	vst v1  }
0x69: {  	v14 =	vld [tilespmem:s26+$0xFFFFFFB0];
	v4 =	vsel vm0, v15, v4  }
0x6a: {  	[tilespmem:s21+$0x50] =	vst v4;
	v4 =	vsel vm0, v11, v9;
	v9 =	vld [tilespmem:s21+$0x60]  }
0x6b: {  	[tilespmem:s4+$0xFFFFFF80] =	vst v4;
	v4 =	vsel vm0, v17, v16;
	v11 =	vld [tilespmem:s26+$0x60]  }
0x6c: {  	[tilespmem:s4+$0x10] =	vst v4;
	v4 =	vld [tilespmem:s5+$0xFFFFFF90]  }
0x6d: {  	v1 =	vld [tilespmem:s21+$0xFFFFFFE0]  }
0x6e: {  	v3 =	vsel vm0, v14, v10;
	v10 =	vld [tilespmem:s5+$0x20]  }
0x6f: {  	v2 =	vld [tilespmem:s21+$0xFFFFFFF0];
	[tilespmem:s21+$0xFFFFFFB0] =	vst v3  }
0x70: {  	v3 =	vsel vm0, v11, v9;
	v9 =	vld [tilespmem:s26+$0xFFFFFFC0]  }
0x71: {  	v11 =	vld [tilespmem:s4+$0xFFFFFFB0];
	v4 =	vsel vm0, v4, v59  }
0x72: {  	[tilespmem:s4+$0xFFFFFF90] =	vst v4;
	v4 =	vld [tilespmem:s4+$0xFFFFFFC0]  }
0x73: {  	[tilespmem:s21+$0x60] =	vst v3;
	v5 =	vsel vm0, v10, v5;
	v3 =	vld [tilespmem:s5+$0xFFFFFFA0]  }
0x74: {  	v10 =	vld [tilespmem:s4+$0x30];
	[tilespmem:s4+$0x20] =	vst v5  }
0x75: {  	v5 =	vsel vm0, v9, v6;
	v6 =	vld [tilespmem:s5+$0x30]  }
0x76: {  	v62 =	vld [tilespmem:s26+$0x70];
	[tilespmem:s21+$0xFFFFFFC0] =	vst v5  }
0x77: {  	v9 =	vld [tilespmem:s26+$0xFFFFFFD0]  }
0x78: {  	v5 =	vsel vm0, v3, v18;
	v3 =	vld [tilespmem:s4+$0xFFFFFFD0]  }
0x79: {  	v8 =	vsel vm0, v60, v8;
	[tilespmem:s4+$0xFFFFFFA0] =	vst v5;
	v5 =	vld [tilespmem:s4+$0xFFFFFFE0]  }
0x7a: {  	[tilespmem:s20+$0xFFFFFFE0] =	vst v8;
	v6 =	vsel vm0, v6, v10;
	v63 =	vld [tilespmem:s5+$0xFFFFFFB0]  }
0x7b: {  	[tilespmem:s4+$0x30] =	vst v6;
	v6 =	vld [tilespmem:s16+$0xFFFFFFF0]  }
0x7c: {  	v8 =	vsel vm0, v9, v13;
	v9 =	vld [tilespmem:s4+$0x40]  }
0x7d: {  	v7 =	vsel vm0, v58, v7;
	v10 =	vld [tilespmem:s5+$0x40];
	[tilespmem:s21+$0xFFFFFFD0] =	vst v8  }
0x7e: {  	[tilespmem:s20+$0x70] =	vst v7;
	v7 =	vsel vm0, v62, v61;
	v8 =	vld [tilespmem:s26+$0xFFFFFFE0]  }
0x7f: {  	s6 =	simm.s32 $0x580;
	s7 =	simm.s32 $0xC480;
	[tilespmem:s21+$0x70] =	vst v7;
	v7 =	vld [tilespmem:s4+$0xFFFFFFF0];
	s16 =	simm.s32 $0x4;
	v11 =	vsel vm0, v63, v11  }
.LBB2_2:
0x80: {  	v12 =	vld [tilespmem:s6+$0x0];
	[tilespmem:s4+$0xFFFFFFB0] =	vst v11;
	s7 =	sadd.s32 $0x100, s7;
	v6 =	vsel vm0, v6, v0;
	v0 =	vmov v2  }
0x81: {  	s16 =	sadd.s32 $0x2, s16;
	v11 =	vld [tilespmem:s7+$0x0];
	[tilespmem:s20+$0xFFFFFFF0] =	vst v6;
	s20 =	smov.u32 s21;
	s21 =	smov.u32 s4  }
0x82: {  	p0 =	slt.u32 s16, $0x7E;
	s4 =	smov.u32 s7;
	v6 =	vld [tilespmem:s7+$0xFFFFFF80];
	v10 =	vsel vm0, v10, v9  }
0x83: {  	[tilespmem:s21+$0x40] =	vst v10;
	v9 =	vld [tilespmem:s21+$0x50];
	v8 =	vsel vm0, v8, v1;
	v1 =	vmov v5  }
0x84: {  	v5 =	vld [tilespmem:s5+$0x50];
	[tilespmem:s20+$0xFFFFFFE0] =	vst v8;
	v2 =	vmov v7  }
0x85: {  	v7 =	vld [tilespmem:s6+$0xFFFFFF80]  }
0x86: {  	v8 =	vld [tilespmem:s7+$0xFFFFFF90];
	v10 =	vsel vm0, v12, v11  }
0x87: {  	[tilespmem:s7+$0x0] =	vst v10;
	v10 =	vld [tilespmem:s7+$0x10]  }
0x88: {  	v11 =	vld [tilespmem:s6+$0x10]  }
0x89: {  	v12 =	vld [tilespmem:s7+$0xFFFFFFA0];
	v5 =	vsel vm0, v5, v9  }
0x8a: {  	v6 =	vsel vm0, v7, v6;
	[tilespmem:s21+$0x50] =	vst v5;
	v5 =	vld [tilespmem:s21+$0x60]  }
0x8b: {  	[tilespmem:s7+$0xFFFFFF80] =	vst v6;
	v6 =	vld [tilespmem:s5+$0x60]  }
0x8c: {  	v7 =	vld [tilespmem:s6+$0xFFFFFF90]  }
0x8d: {  	v13 =	vld [tilespmem:s7+$0xFFFFFFB0];
	v9 =	vsel vm0, v11, v10  }
0x8e: {  	[tilespmem:s7+$0x10] =	vst v9;
	v9 =	vld [tilespmem:s7+$0x20]  }
0x8f: {  	v10 =	vld [tilespmem:s6+$0x20]  }
0x90: {  	v11 =	vld [tilespmem:s5+$0xFFFFFFC0];
	v5 =	vsel vm0, v6, v5  }
0x91: {  	v6 =	vsel vm0, v7, v8;
	[tilespmem:s21+$0x60] =	vst v5;
	v5 =	vld [tilespmem:s21+$0x70]  }
0x92: {  	[tilespmem:s7+$0xFFFFFF90] =	vst v6;
	v6 =	vld [tilespmem:s5+$0x70]  }
0x93: {  	v7 =	vld [tilespmem:s6+$0xFFFFFFA0]  }
0x94: {  	v8 =	vld [tilespmem:s7+$0xFFFFFFC0];
	v9 =	vsel vm0, v10, v9  }
0x95: {  	[tilespmem:s7+$0x20] =	vst v9;
	v9 =	vld [tilespmem:s7+$0x30];
	v4 =	vsel vm0, v11, v4  }
0x96: {  	v10 =	vld [tilespmem:s6+$0x30];
	[tilespmem:s21+$0xFFFFFFC0] =	vst v4  }
0x97: {  	v11 =	vld [tilespmem:s5+$0xFFFFFFD0];
	v6 =	vsel vm0, v6, v5  }
0x98: {  	v5 =	vsel vm0, v7, v12;
	v7 =	vld [tilespmem:s7+$0xFFFFFFD0];
	[tilespmem:s21+$0x70] =	vst v6  }
0x99: {  	[tilespmem:s7+$0xFFFFFFA0] =	vst v5;
	v5 =	vld [tilespmem:s7+$0xFFFFFFE0];
	v4 =	vmov v8  }
0x9a: {  	v12 =	vld [tilespmem:s6+$0xFFFFFFB0]  }
.Ltmp0:
0x9b: {  	v8 =	vsel vm0, v10, v9;
	v6 =	vld [tilespmem:s26+$0xFFFFFFF0];
	s26 =	smov.u32 s5;
	s5 =	smov.u32 s6;
	(pc) =	sbr.rel @p0 .LBB2_2-.Ltmp0, $4  }
0x9c: {  	[tilespmem:s7+$0x30] =	vst v8;
	v9 =	vld [tilespmem:s7+$0x40];
	v8 =	vsel vm0, v11, v3  }
0x9d: {  	v10 =	vld [tilespmem:s6+$0x40];
	[tilespmem:s21+$0xFFFFFFD0] =	vst v8;
	v3 =	vmov v7  }
0x9e: {  	v8 =	vld [tilespmem:s26+$0xFFFFFFE0]  }
0x9f: {  	s6 =	sadd.s32 $0x100, s6;
	v11 =	vsel vm0, v12, v13;
	v7 =	vld [tilespmem:s7+$0xFFFFFFF0]  }
0xa0: {  	[tilespmem:s4+$0xFFFFFFB0] =	vst v11  }
0xa1: {  	v55 =	vld [tilespmem:s5+$0xFFFFFFC0];
	_ =	sdelay $0x2  }
0xa2: {  	v9 =	vsel vm0, v10, v9  }
0xa3: {  	v56 =	vld [tilespmem:s4+$0x50];
	[tilespmem:s4+$0x40] =	vst v9  }
0xa4: {  	v57 =	vld [tilespmem:s5+$0x50];
	v4 =	vsel vm0, v55, v4  }
0xa5: {  	[tilespmem:s4+$0xFFFFFFC0] =	vst v4  }
0xa6: {  	v4 =	vld [tilespmem:s5+$0xFFFFFFD0];
	_ =	sdelay $0x2  }
0xa7: {  	v9 =	vsel vm0, v57, v56  }
0xa8: {  	v58 =	vld [tilespmem:s4+$0x60];
	[tilespmem:s4+$0x50] =	vst v9  }
0xa9: {  	v59 =	vld [tilespmem:s5+$0x60];
	v3 =	vsel vm0, v4, v3  }
0xaa: {  	[tilespmem:s4+$0xFFFFFFD0] =	vst v3  }
0xab: {  	v3 =	vld [tilespmem:s5+$0xFFFFFFE0];
	_ =	sdelay $0x2  }
0xac: {  	v4 =	vsel vm0, v59, v58  }
0xad: {  	v1 =	vsel vm0, v8, v1;
	[tilespmem:s4+$0x60] =	vst v4;
	v4 =	vld [tilespmem:s4+$0x70]  }
0xae: {  	[tilespmem:s21+$0xFFFFFFE0] =	vst v1;
	v1 =	vld [tilespmem:s5+$0x70];
	v3 =	vsel vm0, v3, v5  }
0xaf: {  	v5 =	vld [tilespmem:s26+$0xFFFFFFF0];
	[tilespmem:s4+$0xFFFFFFE0] =	vst v3  }
0xb0: {  	v3 =	vld [tilespmem:s5+$0xFFFFFFF0];
	_ =	sdelay $0x1  }
0xb1: {  	v0 =	vsel vm0, v6, v0  }
0xb2: {  	[tilespmem:s20+$0xFFFFFFF0] =	vst v0;
	v0 =	vsel vm0, v1, v4  }
0xb3: {  	[tilespmem:s4+$0x70] =	vst v0;
	v0 =	vsel vm0, v5, v2  }
0xb4: {  	[tilespmem:s21+$0xFFFFFFF0] =	vst v0;
	v0 =	vsel vm0, v3, v7  }
0xb5: {  	s21 =	simm.s32 $0x0;
	[tilespmem:s4+$0xFFFFFFF0] =	vst v0  }
0xb6: {  	[hbm4b:s8+s21] =	stream.linear.scatter [tilespmem:s17], [sflag:$0x7], $0x4000, $0x38;
	[tilespmem:$0x18200] =	vst v63  }
0xb7: {  	_ =	swait.ge [sflag:s25], $0x4000  }
0xb8: {  	[sflag:s25] =	ssyncset.done $0x0  }
0xb9: {  	s6 =	simm.s32 $0x180;
	s26 =	simm.s32 $0x200;
	[sflag:s25] =	ssyncadd.s32 $0xFFFFC000  }
0xba: {  	[tilespmem:s26], [sflag:$0x1] =	stream.indirect.gather [hbm4b:s1+s15], $0x80, s6, s15, $0xb8;
	[tilespmem:$0x18200] =	vst v63  }
0xbb: {  	_ = 	snop  }
0xbc: {  	[tilespmem:s17], [sflag:$0x4] =	stream.linear.gather [hbm4b:s9+s21], $0x4000, $0x38;
	[tilespmem:$0x18200] =	vst v63  }
0xbd: {  	_ =	swait.ge [sflag:s28], $0x4000  }
0xbe: {  	[sflag:s28] =	ssyncset.done $0x0  }
0xbf: {  	[sflag:s28] =	ssyncadd.s32 $0xFFFFC000  }
0xc0: {  	_ =	swait.ge [sflag:s29], $0x4000  }
0xc1: {  	[sflag:s29] =	ssyncset.done $0x0  }
0xc2: {  	s4 =	simm.s32 $0x0;
	[sflag:s29] =	ssyncadd.s32 $0xFFFFC000  }
0xc3: {  	v0 =	vld [tilespmem:s4+$0x4200]  }
0xc4: {  	v1 =	vld [tilespmem:s4+$0x10200]  }
0xc5: {  	v2 =	vld [tilespmem:s4+$0x4210]  }
0xc6: {  	v3 =	vld [tilespmem:s4+$0x10210]  }
0xc7: {  	v4 =	vld [tilespmem:s4+$0x4220]  }
0xc8: {  	v5 =	vld [tilespmem:s4+$0x10220]  }
0xc9: {  	v6 =	vld [tilespmem:s4+$0x42F0]  }
0xca: {  	v7 =	vld [tilespmem:s4+$0x102F0]  }
0xcb: {  	v60 =	vld [tilespmem:s4+$0x4260]  }
0xcc: {  	v61 =	vld [tilespmem:s4+$0x4290]  }
0xcd: {  	v62 =	vld [tilespmem:s4+$0x10290]  }
0xce: {  	v0 =	vsel vm0, v0, v1;
	v1 =	vld [tilespmem:s4+$0x4230]  }
0xcf: {  	v2 =	vsel vm0, v2, v3;
	v3 =	vld [tilespmem:s4+$0x4240]  }
0xd0: {  	[tilespmem:s4+$0x10200] =	vst v0;
	v0 =	vld [tilespmem:s4+$0x10230]  }
0xd1: {  	[tilespmem:s4+$0x10210] =	vst v2;
	v2 =	vld [tilespmem:s4+$0x10240]  }
0xd2: {  	v63 =	vld [tilespmem:s4+$0x42A0]  }
0xd3: {  	v12 =	vld [tilespmem:s4+$0x42B0]  }
0xd4: {  	v13 =	vld [tilespmem:s4+$0x10270]  }
0xd5: {  	v0 =	vsel vm0, v1, v0;
	v1 =	vld [tilespmem:s4+$0x10280]  }
0xd6: {  	v2 =	vsel vm0, v3, v2;
	v3 =	vld [tilespmem:s4+$0x102A0];
	[tilespmem:s4+$0x10230] =	vst v0;
	v0 =	vsel vm0, v6, v7  }
0xd7: {  	[tilespmem:s4+$0x102F0] =	vst v0;
	v0 =	vld [tilespmem:s4+$0x4280]  }
0xd8: {  	v4 =	vsel vm0, v4, v5;
	v5 =	vld [tilespmem:s4+$0x4250]  }
0xd9: {  	[tilespmem:s4+$0x10220] =	vst v4;
	v4 =	vld [tilespmem:s4+$0x10250]  }
0xda: {  	v6 =	vld [tilespmem:s4+$0x10260]  }
0xdb: {  	v7 =	vld [tilespmem:s4+$0x4270];
	[tilespmem:s4+$0x10240] =	vst v2;
	v3 =	vsel vm0, v63, v3  }
0xdc: {  	v14 =	vld [tilespmem:s4+$0x102B0];
	[tilespmem:s4+$0x102A0] =	vst v3;
	v0 =	vsel vm0, v0, v1  }
0xdd: {  	v2 =	vld [tilespmem:s4+$0x102C0];
	v1 =	vsel vm0, v61, v62;
	[tilespmem:s4+$0x10280] =	vst v0  }
0xde: {  	v0 =	vld [tilespmem:s4+$0x42C0];
	[tilespmem:s4+$0x10290] =	vst v1;
	v1 =	vsel vm0, v5, v4  }
0xdf: {  	v4 =	vsel vm0, v60, v6;
	[tilespmem:s4+$0x10250] =	vst v1;
	v1 =	vld [tilespmem:s4+$0x42D0]  }
0xe0: {  	v3 =	vsel vm0, v7, v13;
	[tilespmem:s4+$0x10260] =	vst v4;
	v4 =	vld [tilespmem:s4+$0x102D0]  }
0xe1: {  	s5 =	simm.s32 $0x0;
	s6 =	simm.s32 $0x400;
	[tilespmem:s4+$0x10270] =	vst v3;
	v3 =	vld [tilespmem:s4+$0x42E0];
	v5 =	vsel vm0, v12, v14  }
.LBB2_4:
0xe2: {  	s7 =	sshra.s32 s6, $0x2;
	[tilespmem:s4+$0x102B0] =	vst v5;
	v5 =	vld [tilespmem:s4+$0x102E0]  }
0xe3: {  	s5 =	sadd.s32 $0x2, s5;
	v6 =	vld [tilespmem:s7+$0x42F0];
	v0 =	vsel vm0, v0, v2  }
0xe4: {  	p0 =	slt.u32 s5, $0x7E;
	v2 =	vld [tilespmem:s7+$0x102F0];
	[tilespmem:s4+$0x102C0] =	vst v0  }
0xe5: {  	v0 =	vld [tilespmem:s7+$0x4200];
	v1 =	vsel vm0, v1, v4  }
0xe6: {  	v4 =	vld [tilespmem:s7+$0x10200];
	[tilespmem:s4+$0x102D0] =	vst v1  }
0xe7: {  	v1 =	vld [tilespmem:s7+$0x4210];
	v3 =	vsel vm0, v3, v5  }
0xe8: {  	v5 =	vld [tilespmem:s7+$0x10210];
	[tilespmem:s4+$0x102E0] =	vst v3;
	s4 =	smov.u32 s7  }
0xe9: {  	v3 =	vld [tilespmem:s4+$0x4220];
	v2 =	vsel vm0, v6, v2  }
0xea: {  	v6 =	vld [tilespmem:s4+$0x10220];
	[tilespmem:s4+$0x102F0] =	vst v2  }
0xeb: {  	v0 =	vsel vm0, v0, v4;
	v2 =	vld [tilespmem:s4+$0x4230]  }
0xec: {  	[tilespmem:s4+$0x10200] =	vst v0;
	v0 =	vld [tilespmem:s4+$0x10230]  }
0xed: {  	v1 =	vsel vm0, v1, v5;
	v4 =	vld [tilespmem:s4+$0x4240]  }
0xee: {  	[tilespmem:s4+$0x10210] =	vst v1;
	v1 =	vld [tilespmem:s4+$0x10240]  }
0xef: {  	v3 =	vsel vm0, v3, v6;
	v5 =	vld [tilespmem:s4+$0x4250]  }
0xf0: {  	[tilespmem:s4+$0x10220] =	vst v3;
	v3 =	vld [tilespmem:s4+$0x10250]  }
0xf1: {  	v0 =	vsel vm0, v2, v0;
	v2 =	vld [tilespmem:s4+$0x4260]  }
0xf2: {  	[tilespmem:s4+$0x10230] =	vst v0;
	v0 =	vld [tilespmem:s4+$0x10260]  }
0xf3: {  	v1 =	vsel vm0, v4, v1;
	v4 =	vld [tilespmem:s4+$0x4270]  }
0xf4: {  	[tilespmem:s4+$0x10240] =	vst v1;
	v1 =	vld [tilespmem:s4+$0x10270]  }
0xf5: {  	v3 =	vsel vm0, v5, v3;
	v5 =	vld [tilespmem:s4+$0x4280]  }
0xf6: {  	[tilespmem:s4+$0x10250] =	vst v3;
	v3 =	vld [tilespmem:s4+$0x10280]  }
0xf7: {  	v0 =	vsel vm0, v2, v0;
	v2 =	vld [tilespmem:s4+$0x4290]  }
0xf8: {  	[tilespmem:s4+$0x10260] =	vst v0;
	v0 =	vld [tilespmem:s4+$0x10290]  }
0xf9: {  	v1 =	vsel vm0, v4, v1;
	v4 =	vld [tilespmem:s4+$0x42A0]  }
0xfa: {  	[tilespmem:s4+$0x10270] =	vst v1;
	v1 =	vld [tilespmem:s4+$0x102A0]  }
0xfb: {  	v3 =	vsel vm0, v5, v3;
	v5 =	vld [tilespmem:s4+$0x42B0]  }
0xfc: {  	[tilespmem:s4+$0x10280] =	vst v3;
	v3 =	vld [tilespmem:s4+$0x102B0]  }
.Ltmp1:
0xfd: {  	v2 =	vsel vm0, v2, v0;
	v0 =	vld [tilespmem:s4+$0x42C0];
	(pc) =	sbr.rel @p0 .LBB2_4-.Ltmp1, $4  }
0xfe: {  	[tilespmem:s4+$0x10290] =	vst v2;
	v2 =	vld [tilespmem:s4+$0x102C0]  }
0xff: {  	v4 =	vsel vm0, v4, v1;
	v1 =	vld [tilespmem:s4+$0x42D0]  }
0x100: {  	[tilespmem:s4+$0x102A0] =	vst v4;
	v4 =	vld [tilespmem:s4+$0x102D0]  }
0x101: {  	s6 =	sadd.s32 $0x400, s6;
	v5 =	vsel vm0, v5, v3;
	v3 =	vld [tilespmem:s4+$0x42E0]  }
0x102: {  	[tilespmem:s4+$0x102B0] =	vst v5;
	v5 =	vld [tilespmem:s4+$0x102E0];
	_ =	sdelay $0x2  }
0x103: {  	v0 =	vsel vm0, v0, v2  }
0x104: {  	[tilespmem:s4+$0x102C0] =	vst v0;
	v0 =	vsel vm0, v1, v4  }
0x105: {  	[tilespmem:s4+$0x102D0] =	vst v0;
	v0 =	vsel vm0, v3, v5  }
0x106: {  	s26 =	simm.s32 $0x0;
	[tilespmem:s4+$0x102E0] =	vst v0  }
0x107: {  	[hbm4b:s10+s26] =	stream.linear.scatter [tilespmem:s19], [sflag:$0x8], $0x4000, $0x38;
	[tilespmem:$0x18200] =	vst v63  }
0x108: {  	_ =	swait.ge [sflag:s30], $0x4000  }
0x109: {  	[sflag:s30] =	ssyncset.done $0x0  }
0x10a: {  	[sflag:s30] =	ssyncadd.s32 $0xFFFFC000  }
0x10b: {  	_ =	swait.ge [sflag:s31], $0x4000  }
0x10c: {  	[sflag:s31] =	ssyncset.done $0x0  }
0x10d: {  	s4 =	simm.s32 $0x0;
	[sflag:s31] =	ssyncadd.s32 $0xFFFFC000  }
0x10e: {  	v0 =	vld [tilespmem:s4+$0x8200]  }
0x10f: {  	v1 =	vld [tilespmem:s4+$0x14200]  }
0x110: {  	v2 =	vld [tilespmem:s4+$0x8210]  }
0x111: {  	v3 =	vld [tilespmem:s4+$0x14210]  }
0x112: {  	v4 =	vld [tilespmem:s4+$0x8220]  }
0x113: {  	v5 =	vld [tilespmem:s4+$0x14220]  }
0x114: {  	v6 =	vld [tilespmem:s4+$0x82F0]  }
0x115: {  	v7 =	vld [tilespmem:s4+$0x142F0]  }
0x116: {  	v8 =	vld [tilespmem:s4+$0x8260]  }
0x117: {  	v9 =	vld [tilespmem:s4+$0x8290]  }
0x118: {  	v10 =	vld [tilespmem:s4+$0x14290]  }
0x119: {  	v0 =	vsel vm0, v0, v1;
	v1 =	vld [tilespmem:s4+$0x8230]  }
0x11a: {  	v2 =	vsel vm0, v2, v3;
	v3 =	vld [tilespmem:s4+$0x8240]  }
0x11b: {  	[tilespmem:s4+$0x14200] =	vst v0;
	v0 =	vld [tilespmem:s4+$0x14230]  }
0x11c: {  	[tilespmem:s4+$0x14210] =	vst v2;
	v2 =	vld [tilespmem:s4+$0x14240]  }
0x11d: {  	v11 =	vld [tilespmem:s4+$0x82A0]  }
0x11e: {  	v12 =	vld [tilespmem:s4+$0x82B0]  }
0x11f: {  	v13 =	vld [tilespmem:s4+$0x14270]  }
0x120: {  	v0 =	vsel vm0, v1, v0;
	v1 =	vld [tilespmem:s4+$0x14280]  }
0x121: {  	v2 =	vsel vm0, v3, v2;
	v3 =	vld [tilespmem:s4+$0x142A0];
	[tilespmem:s4+$0x14230] =	vst v0;
	v0 =	vsel vm0, v6, v7  }
0x122: {  	[tilespmem:s4+$0x142F0] =	vst v0;
	v0 =	vld [tilespmem:s4+$0x8280]  }
0x123: {  	v4 =	vsel vm0, v4, v5;
	v5 =	vld [tilespmem:s4+$0x8250]  }
0x124: {  	[tilespmem:s4+$0x14220] =	vst v4;
	v4 =	vld [tilespmem:s4+$0x14250]  }
0x125: {  	v6 =	vld [tilespmem:s4+$0x14260]  }
0x126: {  	v7 =	vld [tilespmem:s4+$0x8270];
	[tilespmem:s4+$0x14240] =	vst v2;
	v3 =	vsel vm0, v11, v3  }
0x127: {  	v14 =	vld [tilespmem:s4+$0x142B0];
	[tilespmem:s4+$0x142A0] =	vst v3;
	v0 =	vsel vm0, v0, v1  }
0x128: {  	v2 =	vld [tilespmem:s4+$0x142C0];
	v1 =	vsel vm0, v9, v10;
	[tilespmem:s4+$0x14280] =	vst v0  }
0x129: {  	v0 =	vld [tilespmem:s4+$0x82C0];
	[tilespmem:s4+$0x14290] =	vst v1;
	v1 =	vsel vm0, v5, v4  }
0x12a: {  	v4 =	vsel vm0, v8, v6;
	[tilespmem:s4+$0x14250] =	vst v1;
	v1 =	vld [tilespmem:s4+$0x82D0]  }
0x12b: {  	v3 =	vsel vm0, v7, v13;
	[tilespmem:s4+$0x14260] =	vst v4;
	v4 =	vld [tilespmem:s4+$0x142D0]  }
0x12c: {  	s5 =	simm.s32 $0x0;
	s6 =	simm.s32 $0x400;
	[tilespmem:s4+$0x14270] =	vst v3;
	v3 =	vld [tilespmem:s4+$0x82E0];
	v5 =	vsel vm0, v12, v14  }
.LBB2_6:
0x12d: {  	s7 =	sshra.s32 s6, $0x2;
	[tilespmem:s4+$0x142B0] =	vst v5;
	v5 =	vld [tilespmem:s4+$0x142E0]  }
0x12e: {  	s5 =	sadd.s32 $0x2, s5;
	v6 =	vld [tilespmem:s7+$0x82F0];
	v0 =	vsel vm0, v0, v2  }
0x12f: {  	p0 =	slt.u32 s5, $0x7E;
	v2 =	vld [tilespmem:s7+$0x142F0];
	[tilespmem:s4+$0x142C0] =	vst v0  }
0x130: {  	v0 =	vld [tilespmem:s7+$0x8200];
	v1 =	vsel vm0, v1, v4  }
0x131: {  	v4 =	vld [tilespmem:s7+$0x14200];
	[tilespmem:s4+$0x142D0] =	vst v1  }
0x132: {  	v1 =	vld [tilespmem:s7+$0x8210];
	v3 =	vsel vm0, v3, v5  }
0x133: {  	v5 =	vld [tilespmem:s7+$0x14210];
	[tilespmem:s4+$0x142E0] =	vst v3;
	s4 =	smov.u32 s7  }
0x134: {  	v3 =	vld [tilespmem:s4+$0x8220];
	v2 =	vsel vm0, v6, v2  }
0x135: {  	v6 =	vld [tilespmem:s4+$0x14220];
	[tilespmem:s4+$0x142F0] =	vst v2  }
0x136: {  	v0 =	vsel vm0, v0, v4;
	v2 =	vld [tilespmem:s4+$0x8230]  }
0x137: {  	[tilespmem:s4+$0x14200] =	vst v0;
	v0 =	vld [tilespmem:s4+$0x14230]  }
0x138: {  	v1 =	vsel vm0, v1, v5;
	v4 =	vld [tilespmem:s4+$0x8240]  }
0x139: {  	[tilespmem:s4+$0x14210] =	vst v1;
	v1 =	vld [tilespmem:s4+$0x14240]  }
0x13a: {  	v3 =	vsel vm0, v3, v6;
	v5 =	vld [tilespmem:s4+$0x8250]  }
0x13b: {  	[tilespmem:s4+$0x14220] =	vst v3;
	v3 =	vld [tilespmem:s4+$0x14250]  }
0x13c: {  	v0 =	vsel vm0, v2, v0;
	v2 =	vld [tilespmem:s4+$0x8260]  }
0x13d: {  	[tilespmem:s4+$0x14230] =	vst v0;
	v0 =	vld [tilespmem:s4+$0x14260]  }
0x13e: {  	v1 =	vsel vm0, v4, v1;
	v4 =	vld [tilespmem:s4+$0x8270]  }
0x13f: {  	[tilespmem:s4+$0x14240] =	vst v1;
	v1 =	vld [tilespmem:s4+$0x14270]  }
0x140: {  	v3 =	vsel vm0, v5, v3;
	v5 =	vld [tilespmem:s4+$0x8280]  }
0x141: {  	[tilespmem:s4+$0x14250] =	vst v3;
	v3 =	vld [tilespmem:s4+$0x14280]  }
0x142: {  	v0 =	vsel vm0, v2, v0;
	v2 =	vld [tilespmem:s4+$0x8290]  }
0x143: {  	[tilespmem:s4+$0x14260] =	vst v0;
	v0 =	vld [tilespmem:s4+$0x14290]  }
0x144: {  	v1 =	vsel vm0, v4, v1;
	v4 =	vld [tilespmem:s4+$0x82A0]  }
0x145: {  	[tilespmem:s4+$0x14270] =	vst v1;
	v1 =	vld [tilespmem:s4+$0x142A0]  }
0x146: {  	v3 =	vsel vm0, v5, v3;
	v5 =	vld [tilespmem:s4+$0x82B0]  }
0x147: {  	[tilespmem:s4+$0x14280] =	vst v3;
	v3 =	vld [tilespmem:s4+$0x142B0]  }
.Ltmp2:
0x148: {  	v2 =	vsel vm0, v2, v0;
	v0 =	vld [tilespmem:s4+$0x82C0];
	(pc) =	sbr.rel @p0 .LBB2_6-.Ltmp2, $4  }
0x149: {  	[tilespmem:s4+$0x14290] =	vst v2;
	v2 =	vld [tilespmem:s4+$0x142C0]  }
0x14a: {  	v4 =	vsel vm0, v4, v1;
	v1 =	vld [tilespmem:s4+$0x82D0]  }
0x14b: {  	[tilespmem:s4+$0x142A0] =	vst v4;
	v4 =	vld [tilespmem:s4+$0x142D0]  }
0x14c: {  	s6 =	sadd.s32 $0x400, s6;
	v5 =	vsel vm0, v5, v3;
	v3 =	vld [tilespmem:s4+$0x82E0]  }
0x14d: {  	[tilespmem:s4+$0x142B0] =	vst v5;
	v5 =	vld [tilespmem:s4+$0x142E0];
	_ =	sdelay $0x2  }
0x14e: {  	v0 =	vsel vm0, v0, v2  }
0x14f: {  	[tilespmem:s4+$0x142C0] =	vst v0;
	v0 =	vsel vm0, v1, v4  }
0x150: {  	[tilespmem:s4+$0x142D0] =	vst v0;
	v0 =	vsel vm0, v3, v5  }
0x151: {  	[tilespmem:s4+$0x142E0] =	vst v0  }
0x152: {  	[hbm4b:s11+s2] =	stream.linear.scatter [tilespmem:s22], [sflag:$0x9], $0x4000, $0x38;
	[tilespmem:$0x18200] =	vst v63  }
0x153: {  	_ =	swait.ge [sflag:s23], $0x4000  }
0x154: {  	[sflag:s23] =	ssyncset.done $0x0  }
0x155: {  	[sflag:s23] =	ssyncadd.s32 $0xFFFFC000  }
0x156: {  	_ =	swait.ge [sflag:s24], $0x4000  }
0x157: {  	[sflag:s24] =	ssyncset.done $0x0  }
0x158: {  	s16 =	simm.s32 $0x280;
	[sflag:s24] =	ssyncadd.s32 $0xFFFFC000  }
0x159: {  	s20 =	simm.s32 $0xC280;
	v0 =	vld [tilespmem:s16+$0x0]  }
0x15a: {  	v1 =	vld [tilespmem:s20+$0x0];
	_ =	sdelay $0x4  }
0x15b: {  	v0 =	vsel vm0, v0, v1  }
0x15c: {  	[tilespmem:s20+$0x0] =	vst v0;
	v0 =	vld [tilespmem:s20+$0x10]  }
0x15d: {  	v1 =	vld [tilespmem:s16+$0x10];
	_ =	sdelay $0x1  }
0x15e: {  	v2 =	vld [tilespmem:s20+$0xFFFFFF80]  }
0x15f: {  	v3 =	vld [tilespmem:s16+$0xFFFFFF80]  }
0x160: {  	v4 =	vld [tilespmem:s20+$0xFFFFFF90]  }
0x161: {  	v5 =	vld [tilespmem:s20+$0xFFFFFFA0];
	v0 =	vsel vm0, v1, v0  }
0x162: {  	[tilespmem:s20+$0x10] =	vst v0;
	v0 =	vld [tilespmem:s20+$0x20]  }
0x163: {  	v1 =	vld [tilespmem:s16+$0x20]  }
0x164: {  	v6 =	vld [tilespmem:s20+$0xFFFFFFC0];
	v2 =	vsel vm0, v3, v2  }
0x165: {  	v8 =	vld [tilespmem:s20+$0xFFFFFFE0];
	[tilespmem:s20+$0xFFFFFF80] =	vst v2  }
0x166: {  	s21 =	simm.s32 $0xC380;
	v2 =	vld [tilespmem:s16+$0xFFFFFF90]  }
0x167: {  	s26 =	simm.s32 $0x380;
	v9 =	vld [tilespmem:s21+$0xFFFFFF80]  }
0x168: {  	v10 =	vld [tilespmem:s26+$0xFFFFFF80];
	v0 =	vsel vm0, v1, v0  }
0x169: {  	[tilespmem:s20+$0x20] =	vst v0;
	v0 =	vld [tilespmem:s20+$0x30]  }
0x16a: {  	v1 =	vld [tilespmem:s16+$0x30]  }
0x16b: {  	v11 =	vld [tilespmem:s21+$0xFFFFFFA0];
	v2 =	vsel vm0, v2, v4  }
0x16c: {  	v12 =	vld [tilespmem:s20+$0x60];
	[tilespmem:s20+$0xFFFFFF90] =	vst v2  }
0x16d: {  	v2 =	vld [tilespmem:s16+$0xFFFFFFA0]  }
0x16e: {  	v4 =	vld [tilespmem:s26+$0x0]  }
0x16f: {  	v0 =	vsel vm0, v1, v0;
	v1 =	vld [tilespmem:s21+$0x0]  }
0x170: {  	[tilespmem:s20+$0x30] =	vst v0;
	v0 =	vld [tilespmem:s20+$0x40]  }
0x171: {  	v7 =	vld [tilespmem:s16+$0x40]  }
0x172: {  	v13 =	vld [tilespmem:s21+$0xFFFFFFD0];
	v2 =	vsel vm0, v2, v5  }
0x173: {  	v3 =	vld [tilespmem:s20+$0xFFFFFFB0];
	[tilespmem:s20+$0xFFFFFFA0] =	vst v2  }
0x174: {  	v1 =	vsel vm0, v4, v1;
	v4 =	vld [tilespmem:s16+$0xFFFFFFB0]  }
0x175: {  	[tilespmem:s21+$0x0] =	vst v1;
	v1 =	vld [tilespmem:s21+$0x10]  }
0x176: {  	v0 =	vsel vm0, v7, v0;
	v2 =	vld [tilespmem:s26+$0x10]  }
0x177: {  	[tilespmem:s20+$0x40] =	vst v0;
	v0 =	vld [tilespmem:s20+$0x50]  }
0x178: {  	s4 =	simm.s32 $0xC480;
	v7 =	vld [tilespmem:s16+$0x50]  }
0x179: {  	v16 =	vld [tilespmem:s4+$0x10];
	v9 =	vsel vm0, v10, v9  }
0x17a: {  	v59 =	vld [tilespmem:s4+$0xFFFFFF90];
	[tilespmem:s21+$0xFFFFFF80] =	vst v9;
	v3 =	vsel vm0, v4, v3  }
0x17b: {  	[tilespmem:s20+$0xFFFFFFB0] =	vst v3;
	v3 =	vld [tilespmem:s26+$0xFFFFFF90];
	v1 =	vsel vm0, v2, v1  }
0x17c: {  	[tilespmem:s21+$0x10] =	vst v1;
	v1 =	vld [tilespmem:s21+$0x20]  }
0x17d: {  	v0 =	vsel vm0, v7, v0;
	v7 =	vld [tilespmem:s26+$0x20]  }
0x17e: {  	v2 =	vld [tilespmem:s21+$0xFFFFFF90]  }
0x17f: {  	v18 =	vld [tilespmem:s4+$0xFFFFFFA0]  }
0x180: {  	v61 =	vld [tilespmem:s21+$0x70]  }
0x181: {  	v5 =	vld [tilespmem:s20+$0xFFFFFFD0]  }
0x182: {  	v4 =	vld [tilespmem:s16+$0xFFFFFFC0];
	v1 =	vsel vm0, v7, v1  }
0x183: {  	v2 =	vsel vm0, v3, v2;
	[tilespmem:s21+$0x20] =	vst v1;
	v1 =	vld [tilespmem:s21+$0x30]  }
0x184: {  	[tilespmem:s21+$0xFFFFFF90] =	vst v2;
	v9 =	vld [tilespmem:s26+$0x30]  }
0x185: {  	v2 =	vld [tilespmem:s26+$0xFFFFFFA0]  }
0x186: {  	[tilespmem:s20+$0x50] =	vst v0;
	v0 =	vld [tilespmem:s20+$0xFFFFFFF0]  }
0x187: {  	v10 =	vld [tilespmem:s16+$0x60]  }
0x188: {  	v3 =	vsel vm0, v4, v6;
	v6 =	vld [tilespmem:s21+$0xFFFFFFC0]  }
0x189: {  	s5 =	simm.s32 $0x480;
	v4 =	vld [tilespmem:s21+$0x40];
	v1 =	vsel vm0, v9, v1  }
0x18a: {  	[tilespmem:s21+$0x30] =	vst v1;
	v1 =	vsel vm0, v2, v11;
	v2 =	vld [tilespmem:s5+$0x0]  }
0x18b: {  	v11 =	vld [tilespmem:s4+$0x0]  }
0x18c: {  	[tilespmem:s20+$0xFFFFFFC0] =	vst v3;
	v9 =	vld [tilespmem:s26+$0x40]  }
0x18d: {  	v3 =	vld [tilespmem:s16+$0xFFFFFFD0]  }
0x18e: {  	v7 =	vsel vm0, v10, v12;
	v10 =	vld [tilespmem:s21+$0xFFFFFFB0]  }
0x18f: {  	[tilespmem:s20+$0x60] =	vst v7;
	v7 =	vld [tilespmem:s20+$0x70]  }
0x190: {  	v58 =	vld [tilespmem:s16+$0x70]  }
0x191: {  	v2 =	vsel vm0, v2, v11;
	v11 =	vld [tilespmem:s5+$0xFFFFFF80];
	v4 =	vsel vm0, v9, v4  }
0x192: {  	[tilespmem:s21+$0x40] =	vst v4;
	v4 =	vld [tilespmem:s21+$0x50]  }
0x193: {  	v15 =	vld [tilespmem:s26+$0x50]  }
0x194: {  	v9 =	vld [tilespmem:s4+$0xFFFFFF80];
	[tilespmem:s4+$0x0] =	vst v2  }
0x195: {  	v3 =	vsel vm0, v3, v5;
	v17 =	vld [tilespmem:s5+$0x10]  }
0x196: {  	v5 =	vld [tilespmem:s4+$0x20];
	[tilespmem:s20+$0xFFFFFFD0] =	vst v3  }
0x197: {  	v60 =	vld [tilespmem:s16+$0xFFFFFFE0];
	[tilespmem:s21+$0xFFFFFFA0] =	vst v1  }
0x198: {  	v14 =	vld [tilespmem:s26+$0xFFFFFFB0];
	v4 =	vsel vm0, v15, v4  }
0x199: {  	[tilespmem:s21+$0x50] =	vst v4;
	v4 =	vsel vm0, v11, v9;
	v9 =	vld [tilespmem:s21+$0x60]  }
0x19a: {  	[tilespmem:s4+$0xFFFFFF80] =	vst v4;
	v4 =	vsel vm0, v17, v16;
	v11 =	vld [tilespmem:s26+$0x60]  }
0x19b: {  	[tilespmem:s4+$0x10] =	vst v4;
	v4 =	vld [tilespmem:s5+$0xFFFFFF90]  }
0x19c: {  	v1 =	vld [tilespmem:s21+$0xFFFFFFE0]  }
0x19d: {  	v3 =	vsel vm0, v14, v10;
	v10 =	vld [tilespmem:s5+$0x20]  }
0x19e: {  	v2 =	vld [tilespmem:s21+$0xFFFFFFF0];
	[tilespmem:s21+$0xFFFFFFB0] =	vst v3  }
0x19f: {  	v3 =	vsel vm0, v11, v9;
	v9 =	vld [tilespmem:s26+$0xFFFFFFC0]  }
0x1a0: {  	v11 =	vld [tilespmem:s4+$0xFFFFFFB0];
	v4 =	vsel vm0, v4, v59  }
0x1a1: {  	[tilespmem:s4+$0xFFFFFF90] =	vst v4;
	v4 =	vld [tilespmem:s4+$0xFFFFFFC0]  }
0x1a2: {  	[tilespmem:s21+$0x60] =	vst v3;
	v5 =	vsel vm0, v10, v5;
	v3 =	vld [tilespmem:s5+$0xFFFFFFA0]  }
0x1a3: {  	v10 =	vld [tilespmem:s4+$0x30];
	[tilespmem:s4+$0x20] =	vst v5  }
0x1a4: {  	v5 =	vsel vm0, v9, v6;
	v6 =	vld [tilespmem:s5+$0x30]  }
0x1a5: {  	v62 =	vld [tilespmem:s26+$0x70];
	[tilespmem:s21+$0xFFFFFFC0] =	vst v5  }
0x1a6: {  	v9 =	vld [tilespmem:s26+$0xFFFFFFD0]  }
0x1a7: {  	v5 =	vsel vm0, v3, v18;
	v3 =	vld [tilespmem:s4+$0xFFFFFFD0]  }
0x1a8: {  	v8 =	vsel vm0, v60, v8;
	[tilespmem:s4+$0xFFFFFFA0] =	vst v5;
	v5 =	vld [tilespmem:s4+$0xFFFFFFE0]  }
0x1a9: {  	[tilespmem:s20+$0xFFFFFFE0] =	vst v8;
	v6 =	vsel vm0, v6, v10;
	v63 =	vld [tilespmem:s5+$0xFFFFFFB0]  }
0x1aa: {  	[tilespmem:s4+$0x30] =	vst v6;
	v6 =	vld [tilespmem:s16+$0xFFFFFFF0]  }
0x1ab: {  	v8 =	vsel vm0, v9, v13;
	v9 =	vld [tilespmem:s4+$0x40]  }
0x1ac: {  	v7 =	vsel vm0, v58, v7;
	v10 =	vld [tilespmem:s5+$0x40];
	[tilespmem:s21+$0xFFFFFFD0] =	vst v8  }
0x1ad: {  	[tilespmem:s20+$0x70] =	vst v7;
	v7 =	vsel vm0, v62, v61;
	v8 =	vld [tilespmem:s26+$0xFFFFFFE0]  }
0x1ae: {  	s6 =	simm.s32 $0x580;
	s7 =	simm.s32 $0xC480;
	[tilespmem:s21+$0x70] =	vst v7;
	v7 =	vld [tilespmem:s4+$0xFFFFFFF0];
	s16 =	simm.s32 $0x4;
	v11 =	vsel vm0, v63, v11  }
.LBB2_8:
0x1af: {  	v12 =	vld [tilespmem:s6+$0x0];
	[tilespmem:s4+$0xFFFFFFB0] =	vst v11;
	s7 =	sadd.s32 $0x100, s7;
	v6 =	vsel vm0, v6, v0;
	v0 =	vmov v2  }
0x1b0: {  	s16 =	sadd.s32 $0x2, s16;
	v11 =	vld [tilespmem:s7+$0x0];
	[tilespmem:s20+$0xFFFFFFF0] =	vst v6;
	s20 =	smov.u32 s21;
	s21 =	smov.u32 s4  }
0x1b1: {  	p0 =	slt.u32 s16, $0x7E;
	s4 =	smov.u32 s7;
	v6 =	vld [tilespmem:s7+$0xFFFFFF80];
	v10 =	vsel vm0, v10, v9  }
0x1b2: {  	[tilespmem:s21+$0x40] =	vst v10;
	v9 =	vld [tilespmem:s21+$0x50];
	v8 =	vsel vm0, v8, v1;
	v1 =	vmov v5  }
0x1b3: {  	v5 =	vld [tilespmem:s5+$0x50];
	[tilespmem:s20+$0xFFFFFFE0] =	vst v8;
	v2 =	vmov v7  }
0x1b4: {  	v7 =	vld [tilespmem:s6+$0xFFFFFF80]  }
0x1b5: {  	v8 =	vld [tilespmem:s7+$0xFFFFFF90];
	v10 =	vsel vm0, v12, v11  }
0x1b6: {  	[tilespmem:s7+$0x0] =	vst v10;
	v10 =	vld [tilespmem:s7+$0x10]  }
0x1b7: {  	v11 =	vld [tilespmem:s6+$0x10]  }
0x1b8: {  	v12 =	vld [tilespmem:s7+$0xFFFFFFA0];
	v5 =	vsel vm0, v5, v9  }
0x1b9: {  	v6 =	vsel vm0, v7, v6;
	[tilespmem:s21+$0x50] =	vst v5;
	v5 =	vld [tilespmem:s21+$0x60]  }
0x1ba: {  	[tilespmem:s7+$0xFFFFFF80] =	vst v6;
	v6 =	vld [tilespmem:s5+$0x60]  }
0x1bb: {  	v7 =	vld [tilespmem:s6+$0xFFFFFF90]  }
0x1bc: {  	v13 =	vld [tilespmem:s7+$0xFFFFFFB0];
	v9 =	vsel vm0, v11, v10  }
0x1bd: {  	[tilespmem:s7+$0x10] =	vst v9;
	v9 =	vld [tilespmem:s7+$0x20]  }
0x1be: {  	v10 =	vld [tilespmem:s6+$0x20]  }
0x1bf: {  	v11 =	vld [tilespmem:s5+$0xFFFFFFC0];
	v5 =	vsel vm0, v6, v5  }
0x1c0: {  	v6 =	vsel vm0, v7, v8;
	[tilespmem:s21+$0x60] =	vst v5;
	v5 =	vld [tilespmem:s21+$0x70]  }
0x1c1: {  	[tilespmem:s7+$0xFFFFFF90] =	vst v6;
	v6 =	vld [tilespmem:s5+$0x70]  }
0x1c2: {  	v7 =	vld [tilespmem:s6+$0xFFFFFFA0]  }
0x1c3: {  	v8 =	vld [tilespmem:s7+$0xFFFFFFC0];
	v9 =	vsel vm0, v10, v9  }
0x1c4: {  	[tilespmem:s7+$0x20] =	vst v9;
	v9 =	vld [tilespmem:s7+$0x30];
	v4 =	vsel vm0, v11, v4  }
0x1c5: {  	v10 =	vld [tilespmem:s6+$0x30];
	[tilespmem:s21+$0xFFFFFFC0] =	vst v4  }
0x1c6: {  	v11 =	vld [tilespmem:s5+$0xFFFFFFD0];
	v6 =	vsel vm0, v6, v5  }
0x1c7: {  	v5 =	vsel vm0, v7, v12;
	v7 =	vld [tilespmem:s7+$0xFFFFFFD0];
	[tilespmem:s21+$0x70] =	vst v6  }
0x1c8: {  	[tilespmem:s7+$0xFFFFFFA0] =	vst v5;
	v5 =	vld [tilespmem:s7+$0xFFFFFFE0];
	v4 =	vmov v8  }
0x1c9: {  	v12 =	vld [tilespmem:s6+$0xFFFFFFB0]  }
.Ltmp3:
0x1ca: {  	v8 =	vsel vm0, v10, v9;
	v6 =	vld [tilespmem:s26+$0xFFFFFFF0];
	s26 =	smov.u32 s5;
	s5 =	smov.u32 s6;
	(pc) =	sbr.rel @p0 .LBB2_8-.Ltmp3, $4  }
0x1cb: {  	[tilespmem:s7+$0x30] =	vst v8;
	v9 =	vld [tilespmem:s7+$0x40];
	v8 =	vsel vm0, v11, v3  }
0x1cc: {  	v10 =	vld [tilespmem:s6+$0x40];
	[tilespmem:s21+$0xFFFFFFD0] =	vst v8;
	v3 =	vmov v7  }
0x1cd: {  	v8 =	vld [tilespmem:s26+$0xFFFFFFE0]  }
0x1ce: {  	s6 =	sadd.s32 $0x100, s6;
	v11 =	vsel vm0, v12, v13;
	v7 =	vld [tilespmem:s7+$0xFFFFFFF0]  }
0x1cf: {  	[tilespmem:s4+$0xFFFFFFB0] =	vst v11  }
0x1d0: {  	v52 =	vld [tilespmem:s5+$0xFFFFFFC0];
	_ =	sdelay $0x3  }
0x1d1: {  	v9 =	vsel vm0, v10, v9  }
0x1d2: {  	v53 =	vld [tilespmem:s4+$0x50];
	[tilespmem:s4+$0x40] =	vst v9;
	v4 =	vsel vm0, v52, v4  }
0x1d3: {  	v54 =	vld [tilespmem:s5+$0x50];
	[tilespmem:s4+$0xFFFFFFC0] =	vst v4  }
0x1d4: {  	v4 =	vld [tilespmem:s5+$0xFFFFFFD0];
	_ =	sdelay $0x3  }
0x1d5: {  	v9 =	vsel vm0, v54, v53  }
0x1d6: {  	v55 =	vld [tilespmem:s4+$0x60];
	[tilespmem:s4+$0x50] =	vst v9;
	v3 =	vsel vm0, v4, v3  }
0x1d7: {  	v56 =	vld [tilespmem:s5+$0x60];
	[tilespmem:s4+$0xFFFFFFD0] =	vst v3  }
0x1d8: {  	v3 =	vld [tilespmem:s5+$0xFFFFFFE0];
	_ =	sdelay $0x2  }
0x1d9: {  	v1 =	vsel vm0, v8, v1  }
0x1da: {  	v58 =	vld [tilespmem:s4+$0x70];
	[tilespmem:s21+$0xFFFFFFE0] =	vst v1;
	v57 =	vsel vm0, v56, v55  }
0x1db: {  	v60 =	vld [tilespmem:s26+$0xFFFFFFF0];
	[tilespmem:s4+$0x60] =	vst v57;
	v3 =	vsel vm0, v3, v5  }
0x1dc: {  	v59 =	vld [tilespmem:s5+$0x70];
	[tilespmem:s4+$0xFFFFFFE0] =	vst v3  }
0x1dd: {  	v3 =	vld [tilespmem:s5+$0xFFFFFFF0];
	_ =	sdelay $0x1  }
0x1de: {  	v0 =	vsel vm0, v6, v0  }
0x1df: {  	[tilespmem:s20+$0xFFFFFFF0] =	vst v0;
	v62 =	vsel vm0, v60, v2  }
0x1e0: {  	[tilespmem:s21+$0xFFFFFFF0] =	vst v62;
	v61 =	vsel vm0, v59, v58  }
0x1e1: {  	[tilespmem:s4+$0x70] =	vst v61;
	v63 =	vsel vm0, v3, v7  }
0x1e2: {  	[tilespmem:s4+$0xFFFFFFF0] =	vst v63  }
0x1e3: {  	[hbm4b:s12+s2] =	stream.linear.scatter [tilespmem:s17], [sflag:$0x7], $0x4000, $0x38;
	[tilespmem:$0x18200] =	vst v63  }
0x1e4: {  	_ =	swait.ge [sflag:s0], $0x4000  }
0x1e5: {  	[sflag:s0] =	ssyncset.done $0x0  }
0x1e6: {  	s18 =	sadd.s32 $0x1, s18;
	[sflag:s0] =	ssyncadd.s32 $0xFFFFC000  }
0x1e7: {  	p0 =	sne.s32 s18, s13;
	_ =	swait.ge [sflag:s3], $0x4000  }
.Ltmp4:
0x1e8: {  	[sflag:s3] =	ssyncset.done $0x0;
	(pc) =	sbr.rel @p0 .LBB2_1-.Ltmp4, $4  }
0x1e9: {  	[sflag:s3] =	ssyncadd.s32 $0xFFFFC000  }
0x1ea: {  	_ =	swait.ge [sflag:s25], $0x4000  }
0x1eb: {  	[sflag:s25] =	ssyncset.done $0x0  }
0x1ec: {  	[sflag:s25] =	ssyncadd.s32 $0xFFFFC000  }
0x1ed: {  	_ =	sfence.sel $0x180000  }
0x1ee: {  	[bflag:$0x0] =	sbarrier.arrive $0xFFFF  }
0x1ef: {  	_ =	strace $0x90000047  }
0x1f0: {  	s0 =	stileid.u32;
	[bflag:$0x2] =	sbarrier.arrive $0xFFFF  }
0x1f1: {  	p0 =	sne.s32 s0, $0x0;
	s0 =	rddreg [dreg:$0x3]  }
0x1f2: {  	s0 =	sadd.s32 @!p0 $0x100000, s0  }
0x1f3: {  	[sflag:s0] =	ssyncadd.tile.s32 @!p0 $0x1;
	_ =	shalt  }
.Lfunc_end2:
_tile_overlayer_lowered:
.L_overlay_start_2:
0x1f4: {  	(tag) =	ssettag $0x2  }
0x1f5: {  	s0 =	rddreg [dreg:$0x0];
	s2 =	stileid.u32  }
0x1f6: {  	s1 =	rddreg [dreg:$0x1];
	p0 =	sne.s32 s2, $0x0  }
0x1f7: {  	s3 =	rddreg [dreg:$0x2];
	[bflag:$0x3] =	sbarrier.arrive $0xFFFF;
	s2 =	simm.s32 @!p0 $0x1C0A  }
0x1f8: {  	[timem:s3], [sflag:s2] =	dma.local @!p0 [hbm:s0], s1  }
0x1f9: {  	s0 =	simm.s32 @!p0 $0xA  }
0x1fa: {  	_ =	swait.ge @!p0 [sflag:s0], s1  }
0x1fb: {  	s1 =	ssub.s32 @!p0 $0x0, s1;
	[sflag:s0] =	ssyncset.done @!p0 $0x0  }
0x1fc: {  	[sflag:s0] =	ssyncadd.s32 @!p0 s1  }
0x1fd: {  	[bflag:$0x3] =	sbarrier.arrive $0xFFFF  }
0x1fe: {  	_ =	shalt  }

</sc_bundles>
